<compile_context>
chip_gen: v7x
topology: tpu7x:2x2x1
jax: 0.10.2.dev20260603
libtpu: 0.0.44.dev20260713+nightly
codegen_flags: <defaults>
</compile_context>

<pallas_src>
import functools

import jax
import jax.numpy as jnp
from jax import lax
from jax.experimental import pallas as pl
from jax.experimental.pallas import tpu as pltpu
from jax.experimental.pallas import tpu_sc as plsc

N_NODES = 10000
N_EDGES = 320000
D = 128

NC = 2
NS = 16
NW = NC * NS
EPW = N_EDGES // NW
CH = 80
NCHUNK = EPW // CH
NPASS = 5
CPP = NCHUNK // NPASS
ACC_ROWS = 10240
RPS = ACC_ROWS // NS
ROW_BLK = 2000
N_BLKS = N_NODES // ROW_BLK



def _tc_post_body(p0_ref, p1_ref, f_ref, w_ref, wr_ref, b_ref, br_ref,
                  y_ref, s_ref, s2_ref):
    i = pl.program_id(0)
    f = f_ref[...]
    res = jnp.dot(f, wr_ref[...], preferred_element_type=jnp.float32)
    r = jnp.maximum(res + br_ref[...], 0.0) + f
    agg = p0_ref[...] + p1_ref[...]
    gcn = jnp.dot(agg, w_ref[...], preferred_element_type=jnp.float32,
                  precision=lax.Precision.HIGHEST)
    yv = jnp.maximum(gcn + b_ref[...], 0.0) + r
    y_ref[...] = yv

    @pl.when(i == 0)
    def _():
        s_ref[...] = jnp.zeros_like(s_ref)
        s2_ref[...] = jnp.zeros_like(s2_ref)

    s_ref[...] += jnp.sum(yv, axis=0, keepdims=True)
    s2_ref[...] += jnp.sum(yv * yv, axis=0, keepdims=True)


def _tc_norm_body(y_ref, s_ref, s2_ref, g_ref, be_ref, o_ref):
    n = jnp.float32(N_NODES)
    mean = s_ref[...] / n
    var = s2_ref[...] / n - mean * mean
    inv = lax.rsqrt(var + 1e-5)
    o_ref[...] = (y_ref[...] - mean) * (inv * g_ref[...]) + be_ref[...]



def _sc_segment_sum(feats, src_rs, dst_rs):
    mesh = plsc.VectorSubcoreMesh(core_axis_name="c", subcore_axis_name="s")

    @functools.partial(
        pl.kernel,
        out_type=[jax.ShapeDtypeStruct((ACC_ROWS, D), jnp.float32)] * 2,
        mesh=mesh,
        scratch_types=[
            pltpu.VMEM((CPP, CH), jnp.int32),
            pltpu.VMEM((CPP, CH), jnp.int32),
            pltpu.VMEM((CH, D), jnp.float32),
            pltpu.VMEM((CH, D), jnp.float32),
            pltpu.VMEM((CH, D), jnp.float32),
            pltpu.VMEM_SHARED((ACC_ROWS, D), jnp.float32),
            pltpu.SemaphoreType.DMA,
            pltpu.SemaphoreType.DMA,
            pltpu.SemaphoreType.DMA,
        ],
    )
    def sc_kernel(f_hbm, src_hbm, dst_hbm, out0_hbm, out1_hbm,
                  src_v, dst_v, buf_a, buf_b, buf_c, acc,
                  sem_a, sem_b, sem_c):
        c = lax.axis_index("c")
        s = lax.axis_index("s")
        wid = c * NS + s
        bufs = (buf_a, buf_b, buf_c)
        sems = (sem_a, sem_b, sem_c)

        @pl.loop(0, CH)
        def _(rr):
            @pl.loop(0, D, step=16)
            def _(cc):
                buf_a[rr, pl.ds(cc, 16)] = jnp.zeros((16,), jnp.float32)

        @pl.loop(0, RPS // CH)
        def _(t):
            pltpu.make_async_copy(
                buf_a, acc.at[pl.ds(s * RPS + t * CH, CH)], sem_a).start()

        @pl.loop(0, RPS // CH)
        def _(t):
            pltpu.make_async_copy(
                buf_a, acc.at[pl.ds(s * RPS + t * CH, CH)], sem_a).wait()

        plsc.subcore_barrier()

        @pl.loop(0, NPASS)
        def _(p):
            pltpu.sync_copy(src_hbm.at[wid, p], src_v)
            pltpu.sync_copy(dst_hbm.at[wid, p], dst_v)

            for t in range(3):
                pltpu.make_async_copy(
                    f_hbm.at[src_v.at[t]], bufs[t], sems[t]).start()

            @pl.loop(0, CPP - 1, step=3)
            def _(j):
                for t in range(3):
                    jj = j + t
                    pltpu.make_async_copy(
                        f_hbm.at[src_v.at[jj]], bufs[t], sems[t]).wait()
                    pltpu.sync_copy(bufs[t], acc.at[dst_v.at[jj]], add=True)
                    if t == 0:
                        pltpu.make_async_copy(
                            f_hbm.at[src_v.at[jj + 3]], bufs[t],
                            sems[t]).start()
                    else:
                        @pl.when(j < CPP - 4)
                        def _():
                            pltpu.make_async_copy(
                                f_hbm.at[src_v.at[jj + 3]], bufs[t],
                                sems[t]).start()

            pltpu.make_async_copy(
                f_hbm.at[src_v.at[CPP - 1]], buf_a, sem_a).wait()
            pltpu.sync_copy(buf_a, acc.at[dst_v.at[CPP - 1]], add=True)

        plsc.subcore_barrier()

        def copy_out(out_ref):
            def oslc(t):
                return out_ref.at[pl.ds(s * RPS + t * CH, CH)]

            @pl.loop(0, RPS // CH, step=2)
            def _(t):
                @pl.when(t > 0)
                def _():
                    pltpu.make_async_copy(buf_a, oslc(t - 2), sem_a).wait()
                pltpu.sync_copy(acc.at[pl.ds(s * RPS + t * CH, CH)], buf_a)
                pltpu.make_async_copy(buf_a, oslc(t), sem_a).start()

                @pl.when(t > 0)
                def _():
                    pltpu.make_async_copy(buf_b, oslc(t - 1), sem_b).wait()
                pltpu.sync_copy(
                    acc.at[pl.ds(s * RPS + (t + 1) * CH, CH)], buf_b)
                pltpu.make_async_copy(buf_b, oslc(t + 1), sem_b).start()

            last = RPS // CH - 2
            pltpu.make_async_copy(buf_a, oslc(last), sem_a).wait()
            pltpu.make_async_copy(buf_b, oslc(last + 1), sem_b).wait()

        @pl.when(c == 0)
        def _():
            copy_out(out0_hbm)

        @pl.when(c == 1)
        def _():
            copy_out(out1_hbm)

    return sc_kernel(feats, src_rs, dst_rs)



@jax.jit
def kernel(edge_index, feats, W, b, W_res, b_res, gamma, beta):
    ei = edge_index.astype(jnp.int32)
    src_rs = ei[0].reshape(NW, NPASS, CPP, CH)
    dst_rs = ei[1].reshape(NW, NPASS, CPP, CH)

    b2 = b.reshape(1, D)
    br2 = b_res.reshape(1, D)
    g2 = gamma.reshape(1, D)
    be2 = beta.reshape(1, D)

    row_spec = pl.BlockSpec((ROW_BLK, D), lambda i: (i, 0))
    full_spec = pl.BlockSpec((D, D), lambda i: (0, 0))
    vec_spec = pl.BlockSpec((1, D), lambda i: (0, 0))

    p0, p1 = _sc_segment_sum(feats, src_rs, dst_rs)

    y, s, s2 = pl.pallas_call(
        _tc_post_body,
        grid=(N_BLKS,),
        in_specs=[row_spec, row_spec, row_spec, full_spec, full_spec,
                  vec_spec, vec_spec],
        out_specs=[row_spec, vec_spec, vec_spec],
        out_shape=[
            jax.ShapeDtypeStruct((N_NODES, D), jnp.float32),
            jax.ShapeDtypeStruct((1, D), jnp.float32),
            jax.ShapeDtypeStruct((1, D), jnp.float32),
        ],
    )(p0, p1, feats, W, W_res, b2, br2)

    out = pl.pallas_call(
        _tc_norm_body,
        grid=(N_BLKS,),
        in_specs=[row_spec, vec_spec, vec_spec, vec_spec, vec_spec],
        out_specs=row_spec,
        out_shape=jax.ShapeDtypeStruct((N_NODES, D), jnp.float32),
    )(y, s, s2, g2, be2)

    return out

# --- scband reference (transcript-rebuilt; emitter-appended) ---
"""Pipeline reference for scband-residual-gcnlayer-53068615909524 (READ-ONLY COPY).

The authoritative reference and input builder live on the scoring server;
editing this copy changes nothing except your own understanding.
"""

import jax, jax.numpy as jnp
import numpy as np

N_NODES = 10000
N_EDGES = 320000
D_IN = 128
D_OUT = 128


def setup_inputs(seed: int = 0) -> dict:
    key = jax.random.key(seed)
    k1, k2, k3, k4, k5, k6 = jax.random.split(key, 6)
    feats = jax.random.normal(k1, (N_NODES, D_IN), dtype=jnp.float32)
    edge_index = jax.random.randint(k2, (2, N_EDGES), 0, N_NODES, dtype=jnp.int64)
    # GraphConv weight/bias (dgllife GCNLayer: GraphConv(in, out, norm='none', activation=relu))
    W = jax.random.normal(k3, (D_IN, D_OUT), dtype=jnp.float32) * (1.0 / np.sqrt(D_IN))
    b = jnp.zeros((D_OUT,), dtype=jnp.float32)
    # inner residual Linear of GCNLayer (residual=True by default in dgllife GCN)
    W_res = jax.random.normal(k4, (D_IN, D_OUT), dtype=jnp.float32) * (1.0 / np.sqrt(D_IN))
    b_res = jax.random.normal(k5, (D_OUT,), dtype=jnp.float32) * 0.01
    # BatchNorm1d affine params (outer norm of ResidualGCNLayer)
    gamma = jnp.ones((D_OUT,), dtype=jnp.float32)
    beta = jnp.zeros((D_OUT,), dtype=jnp.float32)
    return {"edge_index": edge_index, "feats": feats, "W": W, "b": b,
            "W_res": W_res, "b_res": b_res, "gamma": gamma, "beta": beta}


def reference(edge_index, feats, W, b, W_res, b_res, gamma, beta):
    src = edge_index[0]
    dst = edge_index[1]
    # ---- GCN layer (dgllife GCNLayer with norm='none', activation=relu, residual=True) ----
    xw = feats @ W                                   # [N, D_OUT]
    msg = jnp.take(xw, src, axis=0)                  # gather over edges  [E, D_OUT]
    agg = jax.ops.segment_sum(msg, dst, num_segments=N_NODES)  # scatter-add [N, D_OUT]
    gcn_out = jax.nn.relu(agg + b)
    res_inner = jax.nn.relu(feats @ W_res + b_res)
    new_feats = gcn_out + res_inner
    # ---- outer residual (Identity since in_feats == out_feats) ----
    residual = feats
    y = new_feats + residual
    # ---- BatchNorm1d (training-mode batch statistics) ----
    mean = jnp.mean(y, axis=0, keepdims=True)
    var = jnp.var(y, axis=0, keepdims=True)
    y_norm = (y - mean) / jnp.sqrt(var + 1e-5)
    out = y_norm * gamma + beta
    return out

if __name__ == "__main__":
    import jax
    _d = setup_inputs()
    print(jax.jit(kernel)(*tuple(_d.values())))

</pallas_src>

<mosaic_0001>
#map = affine_map<(d0, d1) -> (0, 0)>
#map1 = affine_map<(d0, d1) -> (0, 0, 0, 0)>
module attributes {stable_mosaic.version = 14 : i64} {
  func.func @sc_kernel(%arg0: i32, %arg1: i32, %arg2: memref<10000x128xf32, #tpu.memory_space<hbm>>, %arg3: memref<32x5x25x80xi32, #tpu.memory_space<hbm>>, %arg4: memref<32x5x25x80xi32, #tpu.memory_space<hbm>>, %arg5: memref<10240x128xf32, #tpu.memory_space<hbm>>, %arg6: memref<10240x128xf32, #tpu.memory_space<hbm>>, %arg7: memref<25x80xi32, #tpu.memory_space<vmem>>, %arg8: memref<25x80xi32, #tpu.memory_space<vmem>>, %arg9: memref<80x128xf32, #tpu.memory_space<vmem>>, %arg10: memref<80x128xf32, #tpu.memory_space<vmem>>, %arg11: memref<80x128xf32, #tpu.memory_space<vmem>>, %arg12: memref<10240x128xf32, #tpu.memory_space<vmem_shared>>, %arg13: memref<!tpu.dma_semaphore, #tpu.memory_space<semaphore_mem>>, %arg14: memref<!tpu.dma_semaphore, #tpu.memory_space<semaphore_mem>>, %arg15: memref<!tpu.dma_semaphore, #tpu.memory_space<semaphore_mem>>) attributes {dimension_semantics = [#tpu.dimension_semantics<core_parallel>, #tpu.dimension_semantics<subcore_parallel>], iteration_bounds = array<i64: 2, 16>, scalar_prefetch = 0 : i64, scratch_operands = 9 : i64, tpu.core_type = #tpu.core_type<sc_vector_subcore>, window_params = [{transform_indices = #map}, {transform_indices = #map1}, {transform_indices = #map1}, {transform_indices = #map}, {transform_indices = #map}]} {
    %mul3A = arith.constant 16 : i32
    %mul3A_0 = arith.muli %arg0, %mul3A : i32
    %add3A = arith.addi %mul3A_0, %arg1 : i32
    %scan3A = arith.constant 0 : i32
    %scan3A_1 = arith.constant 80 : i32
    %scan3A_2 = arith.addi %scan3A, %scan3A_1 : i32
    %scan3A_3 = arith.constant 1 : i32
    scf.for %scan3A_28 = %scan3A to %scan3A_2 step %scan3A_3  : i32 {
      %mul3A_29 = arith.constant 1 : i32
      %mul3A_30 = arith.muli %scan3A_28, %mul3A_29 : i32
      %add3A_31 = arith.constant 0 : i32
      %add3A_32 = arith.addi %add3A_31, %mul3A_30 : i32
      %scan3A_33 = arith.constant 0 : i32
      %scan3A_34 = arith.constant 8 : i32
      %scan3A_35 = arith.addi %scan3A_33, %scan3A_34 : i32
      %scan3A_36 = arith.constant 1 : i32
      scf.for %scan3A_38 = %scan3A_33 to %scan3A_35 step %scan3A_36  : i32 {
        %mul3A_39 = arith.constant 16 : i32
        %mul3A_40 = arith.muli %scan3A_38, %mul3A_39 : i32
        %add3A_41 = arith.constant 0 : i32
        %add3A_42 = arith.addi %add3A_41, %mul3A_40 : i32
        %broadcast_in_dim3A = arith.constant 0.000000e+00 : f32
        %broadcast_in_dim3A_43 = vector.broadcast %broadcast_in_dim3A : f32 to vector<16xf32>
        %swap3A = arith.index_cast %add3A_32 : i32 to index
        %swap3A_44 = arith.index_cast %add3A_42 : i32 to index
        %swap3A_45 = tpu.vector_load %arg9[%swap3A, %swap3A_44] {strides = array<i32>} : memref<80x128xf32, #tpu.memory_space<vmem>>, vector<1x16xf32>,
        %swap3A_46 = vector.shape_cast %swap3A_45 : vector<1x16xf32> to vector<16xf32>
        %swap3A_47 = vector.shape_cast %broadcast_in_dim3A_43 : vector<16xf32> to vector<1x16xf32>
        tpu.vector_store %arg9[%swap3A, %swap3A_44], %swap3A_47 {strides = array<i32>} : memref<80x128xf32, #tpu.memory_space<vmem>>, vector<1x16xf32>,
      }
      %scan3A_37 = arith.constant 8 : i32
    }
    %scan3A_4 = arith.constant 80 : i32
    %scan3A_5 = arith.constant 0 : i32
    %scan3A_6 = arith.constant 8 : i32
    %scan3A_7 = arith.addi %scan3A_5, %scan3A_6 : i32
    %scan3A_8 = arith.constant 1 : i32
    scf.for %scan3A_28 = %scan3A_5 to %scan3A_7 step %scan3A_8  : i32 {
      %mul3A_29 = arith.constant 1 : i32
      %mul3A_30 = arith.muli %scan3A_28, %mul3A_29 : i32
      %add3A_31 = arith.constant 0 : i32
      %add3A_32 = arith.addi %add3A_31, %mul3A_30 : i32
      %mul3A_33 = arith.constant 640 : i32
      %mul3A_34 = arith.muli %arg1, %mul3A_33 : i32
      %mul3A_35 = arith.constant 80 : i32
      %mul3A_36 = arith.muli %add3A_32, %mul3A_35 : i32
      %add3A_37 = arith.addi %mul3A_34, %mul3A_36 : i32
      %dma_start3A = arith.constant 0 : i32
      %dma_start3A_38 = tpu.memref_slice %arg12[%add3A_37, %dma_start3A] : memref<10240x128xf32, #tpu.memory_space<vmem_shared>> -> memref<80x128xf32, #tpu.memory_space<vmem_shared>>
      %dma_start3A_39 = arith.constant 0 : i32
      %dma_start3A_40 = tpu.memref_slice %arg12[%add3A_37, %dma_start3A_39] : memref<10240x128xf32, #tpu.memory_space<vmem_shared>> -> memref<80x128xf32, #tpu.memory_space<vmem_shared>>
      tpu.enqueue_dma source(%arg9 : memref<80x128xf32, #tpu.memory_space<vmem>>) target(%dma_start3A_40 : memref<80x128xf32, #tpu.memory_space<vmem_shared>>) target_semaphore(%arg13 : memref<!tpu.dma_semaphore, #tpu.memory_space<semaphore_mem>>)
    }
    %scan3A_9 = arith.constant 8 : i32
    %scan3A_10 = arith.constant 0 : i32
    %scan3A_11 = arith.constant 8 : i32
    %scan3A_12 = arith.addi %scan3A_10, %scan3A_11 : i32
    %scan3A_13 = arith.constant 1 : i32
    scf.for %scan3A_28 = %scan3A_10 to %scan3A_12 step %scan3A_13  : i32 {
      %mul3A_29 = arith.constant 1 : i32
      %mul3A_30 = arith.muli %scan3A_28, %mul3A_29 : i32
      %add3A_31 = arith.constant 0 : i32
      %add3A_32 = arith.addi %add3A_31, %mul3A_30 : i32
      %mul3A_33 = arith.constant 640 : i32
      %mul3A_34 = arith.muli %arg1, %mul3A_33 : i32
      %mul3A_35 = arith.constant 80 : i32
      %mul3A_36 = arith.muli %add3A_32, %mul3A_35 : i32
      %add3A_37 = arith.addi %mul3A_34, %mul3A_36 : i32
      %dma_wait3A = arith.constant 0 : i32
      %dma_wait3A_38 = tpu.memref_slice %arg12[%add3A_37, %dma_wait3A] : memref<10240x128xf32, #tpu.memory_space<vmem_shared>> -> memref<80x128xf32, #tpu.memory_space<vmem_shared>>
      %dma_wait3A_39 = arith.constant 0 : i32
      %dma_wait3A_40 = tpu.memref_slice %arg12[%add3A_37, %dma_wait3A_39] : memref<10240x128xf32, #tpu.memory_space<vmem_shared>> -> memref<80x128xf32, #tpu.memory_space<vmem_shared>>
      tpu.wait_dma2 semaphore(%arg13 : memref<!tpu.dma_semaphore, #tpu.memory_space<semaphore_mem>>) src(%arg9 : memref<80x128xf32, #tpu.memory_space<vmem>>) dst(%dma_wait3A_40 : memref<80x128xf32, #tpu.memory_space<vmem_shared>>)
    }
    %scan3A_14 = arith.constant 8 : i32
    %barrier3A = arith.constant 0 : index
    tpu.barrier barrier_id(%barrier3A)
    %scan3A_15 = arith.constant 0 : i32
    %scan3A_16 = arith.constant 5 : i32
    %scan3A_17 = arith.addi %scan3A_15, %scan3A_16 : i32
    %scan3A_18 = arith.constant 1 : i32
    scf.for %scan3A_28 = %scan3A_15 to %scan3A_17 step %scan3A_18  : i32 {
      %mul3A_29 = arith.constant 1 : i32
      %mul3A_30 = arith.muli %scan3A_28, %mul3A_29 : i32
      %add3A_31 = arith.constant 0 : i32
      %add3A_32 = arith.addi %add3A_31, %mul3A_30 : i32
      "tpu.region"() ({
        %run_scoped3A_64 = tpu.sem_alloc : memref<!tpu.dma_semaphore, #tpu.memory_space<semaphore_mem>>
        %dma_start3A_65 = arith.constant 0 : i32
        %dma_start3A_66 = arith.constant 0 : i32
        %dma_start3A_67 = tpu.memref_slice %arg3[%add3A, %add3A_32, %dma_start3A_65, %dma_start3A_66] : memref<32x5x25x80xi32, #tpu.memory_space<hbm>> -> memref<1x1x25x80xi32, #tpu.memory_space<hbm>>
        %dma_start3A_68 = tpu.memref_squeeze %dma_start3A_67 : memref<1x1x25x80xi32, #tpu.memory_space<hbm>> -> memref<25x80xi32, #tpu.memory_space<hbm>>
        %dma_start3A_69 = arith.constant 0 : i32
        %dma_start3A_70 = arith.constant 0 : i32
        %dma_start3A_71 = tpu.memref_slice %arg3[%add3A, %add3A_32, %dma_start3A_69, %dma_start3A_70] : memref<32x5x25x80xi32, #tpu.memory_space<hbm>> -> memref<1x1x25x80xi32, #tpu.memory_space<hbm>>
        %dma_start3A_72 = tpu.memref_squeeze %dma_start3A_71 : memref<1x1x25x80xi32, #tpu.memory_space<hbm>> -> memref<25x80xi32, #tpu.memory_space<hbm>>
        tpu.enqueue_dma source(%dma_start3A_72 : memref<25x80xi32, #tpu.memory_space<hbm>>) target(%arg7 : memref<25x80xi32, #tpu.memory_space<vmem>>) target_semaphore(%run_scoped3A_64 : memref<!tpu.dma_semaphore, #tpu.memory_space<semaphore_mem>>)
        %dma_wait3A_73 = arith.constant 0 : i32
        %dma_wait3A_74 = arith.constant 0 : i32
        %dma_wait3A_75 = tpu.memref_slice %arg3[%add3A, %add3A_32, %dma_wait3A_73, %dma_wait3A_74] : memref<32x5x25x80xi32, #tpu.memory_space<hbm>> -> memref<1x1x25x80xi32, #tpu.memory_space<hbm>>
        %dma_wait3A_76 = tpu.memref_squeeze %dma_wait3A_75 : memref<1x1x25x80xi32, #tpu.memory_space<hbm>> -> memref<25x80xi32, #tpu.memory_space<hbm>>
        %dma_wait3A_77 = arith.constant 0 : i32
        %dma_wait3A_78 = arith.constant 0 : i32
        %dma_wait3A_79 = tpu.memref_slice %arg3[%add3A, %add3A_32, %dma_wait3A_77, %dma_wait3A_78] : memref<32x5x25x80xi32, #tpu.memory_space<hbm>> -> memref<1x1x25x80xi32, #tpu.memory_space<hbm>>
        %dma_wait3A_80 = tpu.memref_squeeze %dma_wait3A_79 : memref<1x1x25x80xi32, #tpu.memory_space<hbm>> -> memref<25x80xi32, #tpu.memory_space<hbm>>
        tpu.wait_dma2 semaphore(%run_scoped3A_64 : memref<!tpu.dma_semaphore, #tpu.memory_space<semaphore_mem>>) src(%dma_wait3A_80 : memref<25x80xi32, #tpu.memory_space<hbm>>) dst(%arg7 : memref<25x80xi32, #tpu.memory_space<vmem>>)
        tpu.yield
      }) : () -> ()
      "tpu.region"() ({
        %run_scoped3A_64 = tpu.sem_alloc : memref<!tpu.dma_semaphore, #tpu.memory_space<semaphore_mem>>
        %dma_start3A_65 = arith.constant 0 : i32
        %dma_start3A_66 = arith.constant 0 : i32
        %dma_start3A_67 = tpu.memref_slice %arg4[%add3A, %add3A_32, %dma_start3A_65, %dma_start3A_66] : memref<32x5x25x80xi32, #tpu.memory_space<hbm>> -> memref<1x1x25x80xi32, #tpu.memory_space<hbm>>
        %dma_start3A_68 = tpu.memref_squeeze %dma_start3A_67 : memref<1x1x25x80xi32, #tpu.memory_space<hbm>> -> memref<25x80xi32, #tpu.memory_space<hbm>>
        %dma_start3A_69 = arith.constant 0 : i32
        %dma_start3A_70 = arith.constant 0 : i32
        %dma_start3A_71 = tpu.memref_slice %arg4[%add3A, %add3A_32, %dma_start3A_69, %dma_start3A_70] : memref<32x5x25x80xi32, #tpu.memory_space<hbm>> -> memref<1x1x25x80xi32, #tpu.memory_space<hbm>>
        %dma_start3A_72 = tpu.memref_squeeze %dma_start3A_71 : memref<1x1x25x80xi32, #tpu.memory_space<hbm>> -> memref<25x80xi32, #tpu.memory_space<hbm>>
        tpu.enqueue_dma source(%dma_start3A_72 : memref<25x80xi32, #tpu.memory_space<hbm>>) target(%arg8 : memref<25x80xi32, #tpu.memory_space<vmem>>) target_semaphore(%run_scoped3A_64 : memref<!tpu.dma_semaphore, #tpu.memory_space<semaphore_mem>>)
        %dma_wait3A_73 = arith.constant 0 : i32
        %dma_wait3A_74 = arith.constant 0 : i32
        %dma_wait3A_75 = tpu.memref_slice %arg4[%add3A, %add3A_32, %dma_wait3A_73, %dma_wait3A_74] : memref<32x5x25x80xi32, #tpu.memory_space<hbm>> -> memref<1x1x25x80xi32, #tpu.memory_space<hbm>>
        %dma_wait3A_76 = tpu.memref_squeeze %dma_wait3A_75 : memref<1x1x25x80xi32, #tpu.memory_space<hbm>> -> memref<25x80xi32, #tpu.memory_space<hbm>>
        %dma_wait3A_77 = arith.constant 0 : i32
        %dma_wait3A_78 = arith.constant 0 : i32
        %dma_wait3A_79 = tpu.memref_slice %arg4[%add3A, %add3A_32, %dma_wait3A_77, %dma_wait3A_78] : memref<32x5x25x80xi32, #tpu.memory_space<hbm>> -> memref<1x1x25x80xi32, #tpu.memory_space<hbm>>
        %dma_wait3A_80 = tpu.memref_squeeze %dma_wait3A_79 : memref<1x1x25x80xi32, #tpu.memory_space<hbm>> -> memref<25x80xi32, #tpu.memory_space<hbm>>
        tpu.wait_dma2 semaphore(%run_scoped3A_64 : memref<!tpu.dma_semaphore, #tpu.memory_space<semaphore_mem>>) src(%dma_wait3A_80 : memref<25x80xi32, #tpu.memory_space<hbm>>) dst(%arg8 : memref<25x80xi32, #tpu.memory_space<vmem>>)
        tpu.yield
      }) : () -> ()
      %dma_start3A = arith.constant 0 : i32
      %dma_start3A_33 = arith.constant 0 : i32
      %dma_start3A_34 = tpu.memref_slice %arg7[%dma_start3A, %dma_start3A_33] : memref<25x80xi32, #tpu.memory_space<vmem>> -> memref<1x80xi32, #tpu.memory_space<vmem>>
      %dma_start3A_35 = tpu.memref_squeeze %dma_start3A_34 : memref<1x80xi32, #tpu.memory_space<vmem>> -> memref<80xi32, #tpu.memory_space<vmem>>
      %dma_start3A_36 = arith.constant 0 : i32
      %dma_start3A_37 = arith.constant 0 : i32
      %dma_start3A_38 = tpu.memref_slice %arg2[%dma_start3A_36, %dma_start3A_37] : memref<10000x128xf32, #tpu.memory_space<hbm>> -> memref<10000x128xf32, #tpu.memory_space<hbm>>
      tpu.enqueue_indirect_dma source(%dma_start3A_38 : memref<10000x128xf32, #tpu.memory_space<hbm>>) target(%arg9 : memref<80x128xf32, #tpu.memory_space<vmem>>) offsets(%dma_start3A_35 : memref<80xi32, #tpu.memory_space<vmem>>) semaphore(%arg13 : memref<!tpu.dma_semaphore, #tpu.memory_space<semaphore_mem>>)
      %dma_start3A_39 = arith.constant 1 : i32
      %dma_start3A_40 = arith.constant 0 : i32
      %dma_start3A_41 = tpu.memref_slice %arg7[%dma_start3A_39, %dma_start3A_40] : memref<25x80xi32, #tpu.memory_space<vmem>> -> memref<1x80xi32, #tpu.memory_space<vmem>>
      %dma_start3A_42 = tpu.memref_squeeze %dma_start3A_41 : memref<1x80xi32, #tpu.memory_space<vmem>> -> memref<80xi32, #tpu.memory_space<vmem>>
      %dma_start3A_43 = arith.constant 0 : i32
      %dma_start3A_44 = arith.constant 0 : i32
      %dma_start3A_45 = tpu.memref_slice %arg2[%dma_start3A_43, %dma_start3A_44] : memref<10000x128xf32, #tpu.memory_space<hbm>> -> memref<10000x128xf32, #tpu.memory_space<hbm>>
      tpu.enqueue_indirect_dma source(%dma_start3A_45 : memref<10000x128xf32, #tpu.memory_space<hbm>>) target(%arg10 : memref<80x128xf32, #tpu.memory_space<vmem>>) offsets(%dma_start3A_42 : memref<80xi32, #tpu.memory_space<vmem>>) semaphore(%arg14 : memref<!tpu.dma_semaphore, #tpu.memory_space<semaphore_mem>>)
      %dma_start3A_46 = arith.constant 2 : i32
      %dma_start3A_47 = arith.constant 0 : i32
      %dma_start3A_48 = tpu.memref_slice %arg7[%dma_start3A_46, %dma_start3A_47] : memref<25x80xi32, #tpu.memory_space<vmem>> -> memref<1x80xi32, #tpu.memory_space<vmem>>
      %dma_start3A_49 = tpu.memref_squeeze %dma_start3A_48 : memref<1x80xi32, #tpu.memory_space<vmem>> -> memref<80xi32, #tpu.memory_space<vmem>>
      %dma_start3A_50 = arith.constant 0 : i32
      %dma_start3A_51 = arith.constant 0 : i32
      %dma_start3A_52 = tpu.memref_slice %arg2[%dma_start3A_50, %dma_start3A_51] : memref<10000x128xf32, #tpu.memory_space<hbm>> -> memref<10000x128xf32, #tpu.memory_space<hbm>>
      tpu.enqueue_indirect_dma source(%dma_start3A_52 : memref<10000x128xf32, #tpu.memory_space<hbm>>) target(%arg11 : memref<80x128xf32, #tpu.memory_space<vmem>>) offsets(%dma_start3A_49 : memref<80xi32, #tpu.memory_space<vmem>>) semaphore(%arg15 : memref<!tpu.dma_semaphore, #tpu.memory_space<semaphore_mem>>)
      %scan3A_53 = arith.constant 0 : i32
      %scan3A_54 = arith.constant 8 : i32
      %scan3A_55 = arith.addi %scan3A_53, %scan3A_54 : i32
      %scan3A_56 = arith.constant 1 : i32
      scf.for %scan3A_64 = %scan3A_53 to %scan3A_55 step %scan3A_56  : i32 {
        %mul3A_65 = arith.constant 3 : i32
        %mul3A_66 = arith.muli %scan3A_64, %mul3A_65 : i32
        %add3A_67 = arith.constant 0 : i32
        %add3A_68 = arith.addi %add3A_67, %mul3A_66 : i32
        %add3A_69 = arith.constant 0 : i32
        %add3A_70 = arith.addi %add3A_68, %add3A_69 : i32
        %dma_wait3A_71 = arith.constant 0 : i32
        %dma_wait3A_72 = tpu.memref_slice %arg7[%add3A_70, %dma_wait3A_71] : memref<25x80xi32, #tpu.memory_space<vmem>> -> memref<1x80xi32, #tpu.memory_space<vmem>>
        %dma_wait3A_73 = tpu.memref_squeeze %dma_wait3A_72 : memref<1x80xi32, #tpu.memory_space<vmem>> -> memref<80xi32, #tpu.memory_space<vmem>>
        %dma_wait3A_74 = arith.constant 0 : i32
        %dma_wait3A_75 = arith.constant 0 : i32
        %dma_wait3A_76 = tpu.memref_slice %arg2[%dma_wait3A_74, %dma_wait3A_75] : memref<10000x128xf32, #tpu.memory_space<hbm>> -> memref<10000x128xf32, #tpu.memory_space<hbm>>
        tpu.wait_indirect_dma semaphore(%arg13 : memref<!tpu.dma_semaphore, #tpu.memory_space<semaphore_mem>>) src(%dma_wait3A_76 : memref<10000x128xf32, #tpu.memory_space<hbm>>) dst(%arg9 : memref<80x128xf32, #tpu.memory_space<vmem>>)
        "tpu.region"() ({
          %run_scoped3A_110 = tpu.sem_alloc : memref<!tpu.dma_semaphore, #tpu.memory_space<semaphore_mem>>
          %dma_start3A_111 = arith.constant 0 : i32
          %dma_start3A_112 = tpu.memref_slice %arg8[%add3A_70, %dma_start3A_111] : memref<25x80xi32, #tpu.memory_space<vmem>> -> memref<1x80xi32, #tpu.memory_space<vmem>>
          %dma_start3A_113 = tpu.memref_squeeze %dma_start3A_112 : memref<1x80xi32, #tpu.memory_space<vmem>> -> memref<80xi32, #tpu.memory_space<vmem>>
          %dma_start3A_114 = arith.constant 0 : i32
          %dma_start3A_115 = arith.constant 0 : i32
          %dma_start3A_116 = tpu.memref_slice %arg12[%dma_start3A_114, %dma_start3A_115] : memref<10240x128xf32, #tpu.memory_space<vmem_shared>> -> memref<10240x128xf32, #tpu.memory_space<vmem_shared>>
          tpu.enqueue_indirect_dma source(%arg9 : memref<80x128xf32, #tpu.memory_space<vmem>>) target(%dma_start3A_116 : memref<10240x128xf32, #tpu.memory_space<vmem_shared>>) offsets(%dma_start3A_113 : memref<80xi32, #tpu.memory_space<vmem>>) semaphore(%run_scoped3A_110 : memref<!tpu.dma_semaphore, #tpu.memory_space<semaphore_mem>>) {add = true}
          %dma_wait3A_117 = arith.constant 0 : i32
          %dma_wait3A_118 = tpu.memref_slice %arg8[%add3A_70, %dma_wait3A_117] : memref<25x80xi32, #tpu.memory_space<vmem>> -> memref<1x80xi32, #tpu.memory_space<vmem>>
          %dma_wait3A_119 = tpu.memref_squeeze %dma_wait3A_118 : memref<1x80xi32, #tpu.memory_space<vmem>> -> memref<80xi32, #tpu.memory_space<vmem>>
          %dma_wait3A_120 = arith.constant 0 : i32
          %dma_wait3A_121 = arith.constant 0 : i32
          %dma_wait3A_122 = tpu.memref_slice %arg12[%dma_wait3A_120, %dma_wait3A_121] : memref<10240x128xf32, #tpu.memory_space<vmem_shared>> -> memref<10240x128xf32, #tpu.memory_space<vmem_shared>>
          tpu.wait_indirect_dma semaphore(%run_scoped3A_110 : memref<!tpu.dma_semaphore, #tpu.memory_space<semaphore_mem>>) src(%arg9 : memref<80x128xf32, #tpu.memory_space<vmem>>) dst(%dma_wait3A_122 : memref<10240x128xf32, #tpu.memory_space<vmem_shared>>)
          tpu.yield
        }) : () -> ()
        %add3A_77 = arith.constant 3 : i32
        %add3A_78 = arith.addi %add3A_70, %add3A_77 : i32
        %dma_start3A_79 = arith.constant 0 : i32
        %dma_start3A_80 = tpu.memref_slice %arg7[%add3A_78, %dma_start3A_79] : memref<25x80xi32, #tpu.memory_space<vmem>> -> memref<1x80xi32, #tpu.memory_space<vmem>>
        %dma_start3A_81 = tpu.memref_squeeze %dma_start3A_80 : memref<1x80xi32, #tpu.memory_space<vmem>> -> memref<80xi32, #tpu.memory_space<vmem>>
        %dma_start3A_82 = arith.constant 0 : i32
        %dma_start3A_83 = arith.constant 0 : i32
        %dma_start3A_84 = tpu.memref_slice %arg2[%dma_start3A_82, %dma_start3A_83] : memref<10000x128xf32, #tpu.memory_space<hbm>> -> memref<10000x128xf32, #tpu.memory_space<hbm>>
        tpu.enqueue_indirect_dma source(%dma_start3A_84 : memref<10000x128xf32, #tpu.memory_space<hbm>>) target(%arg9 : memref<80x128xf32, #tpu.memory_space<vmem>>) offsets(%dma_start3A_81 : memref<80xi32, #tpu.memory_space<vmem>>) semaphore(%arg13 : memref<!tpu.dma_semaphore, #tpu.memory_space<semaphore_mem>>)
        %add3A_85 = arith.constant 1 : i32
        %add3A_86 = arith.addi %add3A_68, %add3A_85 : i32
        %dma_wait3A_87 = arith.constant 0 : i32
        %dma_wait3A_88 = tpu.memref_slice %arg7[%add3A_86, %dma_wait3A_87] : memref<25x80xi32, #tpu.memory_space<vmem>> -> memref<1x80xi32, #tpu.memory_space<vmem>>
        %dma_wait3A_89 = tpu.memref_squeeze %dma_wait3A_88 : memref<1x80xi32, #tpu.memory_space<vmem>> -> memref<80xi32, #tpu.memory_space<vmem>>
        %dma_wait3A_90 = arith.constant 0 : i32
        %dma_wait3A_91 = arith.constant 0 : i32
        %dma_wait3A_92 = tpu.memref_slice %arg2[%dma_wait3A_90, %dma_wait3A_91] : memref<10000x128xf32, #tpu.memory_space<hbm>> -> memref<10000x128xf32, #tpu.memory_space<hbm>>
        tpu.wait_indirect_dma semaphore(%arg14 : memref<!tpu.dma_semaphore, #tpu.memory_space<semaphore_mem>>) src(%dma_wait3A_92 : memref<10000x128xf32, #tpu.memory_space<hbm>>) dst(%arg10 : memref<80x128xf32, #tpu.memory_space<vmem>>)
        "tpu.region"() ({
          %run_scoped3A_110 = tpu.sem_alloc : memref<!tpu.dma_semaphore, #tpu.memory_space<semaphore_mem>>
          %dma_start3A_111 = arith.constant 0 : i32
          %dma_start3A_112 = tpu.memref_slice %arg8[%add3A_86, %dma_start3A_111] : memref<25x80xi32, #tpu.memory_space<vmem>> -> memref<1x80xi32, #tpu.memory_space<vmem>>
          %dma_start3A_113 = tpu.memref_squeeze %dma_start3A_112 : memref<1x80xi32, #tpu.memory_space<vmem>> -> memref<80xi32, #tpu.memory_space<vmem>>
          %dma_start3A_114 = arith.constant 0 : i32
          %dma_start3A_115 = arith.constant 0 : i32
          %dma_start3A_116 = tpu.memref_slice %arg12[%dma_start3A_114, %dma_start3A_115] : memref<10240x128xf32, #tpu.memory_space<vmem_shared>> -> memref<10240x128xf32, #tpu.memory_space<vmem_shared>>
          tpu.enqueue_indirect_dma source(%arg10 : memref<80x128xf32, #tpu.memory_space<vmem>>) target(%dma_start3A_116 : memref<10240x128xf32, #tpu.memory_space<vmem_shared>>) offsets(%dma_start3A_113 : memref<80xi32, #tpu.memory_space<vmem>>) semaphore(%run_scoped3A_110 : memref<!tpu.dma_semaphore, #tpu.memory_space<semaphore_mem>>) {add = true}
          %dma_wait3A_117 = arith.constant 0 : i32
          %dma_wait3A_118 = tpu.memref_slice %arg8[%add3A_86, %dma_wait3A_117] : memref<25x80xi32, #tpu.memory_space<vmem>> -> memref<1x80xi32, #tpu.memory_space<vmem>>
          %dma_wait3A_119 = tpu.memref_squeeze %dma_wait3A_118 : memref<1x80xi32, #tpu.memory_space<vmem>> -> memref<80xi32, #tpu.memory_space<vmem>>
          %dma_wait3A_120 = arith.constant 0 : i32
          %dma_wait3A_121 = arith.constant 0 : i32
          %dma_wait3A_122 = tpu.memref_slice %arg12[%dma_wait3A_120, %dma_wait3A_121] : memref<10240x128xf32, #tpu.memory_space<vmem_shared>> -> memref<10240x128xf32, #tpu.memory_space<vmem_shared>>
          tpu.wait_indirect_dma semaphore(%run_scoped3A_110 : memref<!tpu.dma_semaphore, #tpu.memory_space<semaphore_mem>>) src(%arg10 : memref<80x128xf32, #tpu.memory_space<vmem>>) dst(%dma_wait3A_122 : memref<10240x128xf32, #tpu.memory_space<vmem_shared>>)
          tpu.yield
        }) : () -> ()
        %lt3A = arith.constant 21 : i32
        %lt3A_93 = arith.cmpi slt, %add3A_68, %lt3A : i32
        %convert_element_type3A_94 = arith.extui %lt3A_93 : i1 to i32
        %cond3A_95 = arith.constant 0 : i32
        %cond3A_96 = arith.cmpi ne, %convert_element_type3A_94, %cond3A_95 : i32
        scf.if %cond3A_96 {
          %add3A_110 = arith.constant 3 : i32
          %add3A_111 = arith.addi %add3A_86, %add3A_110 : i32
          %dma_start3A_112 = arith.constant 0 : i32
          %dma_start3A_113 = tpu.memref_slice %arg7[%add3A_111, %dma_start3A_112] : memref<25x80xi32, #tpu.memory_space<vmem>> -> memref<1x80xi32, #tpu.memory_space<vmem>>
          %dma_start3A_114 = tpu.memref_squeeze %dma_start3A_113 : memref<1x80xi32, #tpu.memory_space<vmem>> -> memref<80xi32, #tpu.memory_space<vmem>>
          %dma_start3A_115 = arith.constant 0 : i32
          %dma_start3A_116 = arith.constant 0 : i32
          %dma_start3A_117 = tpu.memref_slice %arg2[%dma_start3A_115, %dma_start3A_116] : memref<10000x128xf32, #tpu.memory_space<hbm>> -> memref<10000x128xf32, #tpu.memory_space<hbm>>
          tpu.enqueue_indirect_dma source(%dma_start3A_117 : memref<10000x128xf32, #tpu.memory_space<hbm>>) target(%arg10 : memref<80x128xf32, #tpu.memory_space<vmem>>) offsets(%dma_start3A_114 : memref<80xi32, #tpu.memory_space<vmem>>) semaphore(%arg14 : memref<!tpu.dma_semaphore, #tpu.memory_space<semaphore_mem>>)
        } else {
        }
        %add3A_97 = arith.constant 2 : i32
        %add3A_98 = arith.addi %add3A_68, %add3A_97 : i32
        %dma_wait3A_99 = arith.constant 0 : i32
        %dma_wait3A_100 = tpu.memref_slice %arg7[%add3A_98, %dma_wait3A_99] : memref<25x80xi32, #tpu.memory_space<vmem>> -> memref<1x80xi32, #tpu.memory_space<vmem>>
        %dma_wait3A_101 = tpu.memref_squeeze %dma_wait3A_100 : memref<1x80xi32, #tpu.memory_space<vmem>> -> memref<80xi32, #tpu.memory_space<vmem>>
        %dma_wait3A_102 = arith.constant 0 : i32
        %dma_wait3A_103 = arith.constant 0 : i32
        %dma_wait3A_104 = tpu.memref_slice %arg2[%dma_wait3A_102, %dma_wait3A_103] : memref<10000x128xf32, #tpu.memory_space<hbm>> -> memref<10000x128xf32, #tpu.memory_space<hbm>>
        tpu.wait_indirect_dma semaphore(%arg15 : memref<!tpu.dma_semaphore, #tpu.memory_space<semaphore_mem>>) src(%dma_wait3A_104 : memref<10000x128xf32, #tpu.memory_space<hbm>>) dst(%arg11 : memref<80x128xf32, #tpu.memory_space<vmem>>)
        "tpu.region"() ({
          %run_scoped3A_110 = tpu.sem_alloc : memref<!tpu.dma_semaphore, #tpu.memory_space<semaphore_mem>>
          %dma_start3A_111 = arith.constant 0 : i32
          %dma_start3A_112 = tpu.memref_slice %arg8[%add3A_98, %dma_start3A_111] : memref<25x80xi32, #tpu.memory_space<vmem>> -> memref<1x80xi32, #tpu.memory_space<vmem>>
          %dma_start3A_113 = tpu.memref_squeeze %dma_start3A_112 : memref<1x80xi32, #tpu.memory_space<vmem>> -> memref<80xi32, #tpu.memory_space<vmem>>
          %dma_start3A_114 = arith.constant 0 : i32
          %dma_start3A_115 = arith.constant 0 : i32
          %dma_start3A_116 = tpu.memref_slice %arg12[%dma_start3A_114, %dma_start3A_115] : memref<10240x128xf32, #tpu.memory_space<vmem_shared>> -> memref<10240x128xf32, #tpu.memory_space<vmem_shared>>
          tpu.enqueue_indirect_dma source(%arg11 : memref<80x128xf32, #tpu.memory_space<vmem>>) target(%dma_start3A_116 : memref<10240x128xf32, #tpu.memory_space<vmem_shared>>) offsets(%dma_start3A_113 : memref<80xi32, #tpu.memory_space<vmem>>) semaphore(%run_scoped3A_110 : memref<!tpu.dma_semaphore, #tpu.memory_space<semaphore_mem>>) {add = true}
          %dma_wait3A_117 = arith.constant 0 : i32
          %dma_wait3A_118 = tpu.memref_slice %arg8[%add3A_98, %dma_wait3A_117] : memref<25x80xi32, #tpu.memory_space<vmem>> -> memref<1x80xi32, #tpu.memory_space<vmem>>
          %dma_wait3A_119 = tpu.memref_squeeze %dma_wait3A_118 : memref<1x80xi32, #tpu.memory_space<vmem>> -> memref<80xi32, #tpu.memory_space<vmem>>
          %dma_wait3A_120 = arith.constant 0 : i32
          %dma_wait3A_121 = arith.constant 0 : i32
          %dma_wait3A_122 = tpu.memref_slice %arg12[%dma_wait3A_120, %dma_wait3A_121] : memref<10240x128xf32, #tpu.memory_space<vmem_shared>> -> memref<10240x128xf32, #tpu.memory_space<vmem_shared>>
          tpu.wait_indirect_dma semaphore(%run_scoped3A_110 : memref<!tpu.dma_semaphore, #tpu.memory_space<semaphore_mem>>) src(%arg11 : memref<80x128xf32, #tpu.memory_space<vmem>>) dst(%dma_wait3A_122 : memref<10240x128xf32, #tpu.memory_space<vmem_shared>>)
          tpu.yield
        }) : () -> ()
        %lt3A_105 = arith.constant 21 : i32
        %lt3A_106 = arith.cmpi slt, %add3A_68, %lt3A_105 : i32
        %convert_element_type3A_107 = arith.extui %lt3A_106 : i1 to i32
        %cond3A_108 = arith.constant 0 : i32
        %cond3A_109 = arith.cmpi ne, %convert_element_type3A_107, %cond3A_108 : i32
        scf.if %cond3A_109 {
          %add3A_110 = arith.constant 3 : i32
          %add3A_111 = arith.addi %add3A_98, %add3A_110 : i32
          %dma_start3A_112 = arith.constant 0 : i32
          %dma_start3A_113 = tpu.memref_slice %arg7[%add3A_111, %dma_start3A_112] : memref<25x80xi32, #tpu.memory_space<vmem>> -> memref<1x80xi32, #tpu.memory_space<vmem>>
          %dma_start3A_114 = tpu.memref_squeeze %dma_start3A_113 : memref<1x80xi32, #tpu.memory_space<vmem>> -> memref<80xi32, #tpu.memory_space<vmem>>
          %dma_start3A_115 = arith.constant 0 : i32
          %dma_start3A_116 = arith.constant 0 : i32
          %dma_start3A_117 = tpu.memref_slice %arg2[%dma_start3A_115, %dma_start3A_116] : memref<10000x128xf32, #tpu.memory_space<hbm>> -> memref<10000x128xf32, #tpu.memory_space<hbm>>
          tpu.enqueue_indirect_dma source(%dma_start3A_117 : memref<10000x128xf32, #tpu.memory_space<hbm>>) target(%arg11 : memref<80x128xf32, #tpu.memory_space<vmem>>) offsets(%dma_start3A_114 : memref<80xi32, #tpu.memory_space<vmem>>) semaphore(%arg15 : memref<!tpu.dma_semaphore, #tpu.memory_space<semaphore_mem>>)
        } else {
        }
      }
      %scan3A_57 = arith.constant 8 : i32
      %dma_wait3A = arith.constant 24 : i32
      %dma_wait3A_58 = arith.constant 0 : i32
      %dma_wait3A_59 = tpu.memref_slice %arg7[%dma_wait3A, %dma_wait3A_58] : memref<25x80xi32, #tpu.memory_space<vmem>> -> memref<1x80xi32, #tpu.memory_space<vmem>>
      %dma_wait3A_60 = tpu.memref_squeeze %dma_wait3A_59 : memref<1x80xi32, #tpu.memory_space<vmem>> -> memref<80xi32, #tpu.memory_space<vmem>>
      %dma_wait3A_61 = arith.constant 0 : i32
      %dma_wait3A_62 = arith.constant 0 : i32
      %dma_wait3A_63 = tpu.memref_slice %arg2[%dma_wait3A_61, %dma_wait3A_62] : memref<10000x128xf32, #tpu.memory_space<hbm>> -> memref<10000x128xf32, #tpu.memory_space<hbm>>
      tpu.wait_indirect_dma semaphore(%arg13 : memref<!tpu.dma_semaphore, #tpu.memory_space<semaphore_mem>>) src(%dma_wait3A_63 : memref<10000x128xf32, #tpu.memory_space<hbm>>) dst(%arg9 : memref<80x128xf32, #tpu.memory_space<vmem>>)
      %run_scoped3A = arith.constant 24 : i32
      "tpu.region"() ({
        %run_scoped3A_64 = tpu.sem_alloc : memref<!tpu.dma_semaphore, #tpu.memory_space<semaphore_mem>>
        %dma_start3A_65 = arith.constant 0 : i32
        %dma_start3A_66 = tpu.memref_slice %arg8[%run_scoped3A, %dma_start3A_65] : memref<25x80xi32, #tpu.memory_space<vmem>> -> memref<1x80xi32, #tpu.memory_space<vmem>>
        %dma_start3A_67 = tpu.memref_squeeze %dma_start3A_66 : memref<1x80xi32, #tpu.memory_space<vmem>> -> memref<80xi32, #tpu.memory_space<vmem>>
        %dma_start3A_68 = arith.constant 0 : i32
        %dma_start3A_69 = arith.constant 0 : i32
        %dma_start3A_70 = tpu.memref_slice %arg12[%dma_start3A_68, %dma_start3A_69] : memref<10240x128xf32, #tpu.memory_space<vmem_shared>> -> memref<10240x128xf32, #tpu.memory_space<vmem_shared>>
        tpu.enqueue_indirect_dma source(%arg9 : memref<80x128xf32, #tpu.memory_space<vmem>>) target(%dma_start3A_70 : memref<10240x128xf32, #tpu.memory_space<vmem_shared>>) offsets(%dma_start3A_67 : memref<80xi32, #tpu.memory_space<vmem>>) semaphore(%run_scoped3A_64 : memref<!tpu.dma_semaphore, #tpu.memory_space<semaphore_mem>>) {add = true}
        %dma_wait3A_71 = arith.constant 0 : i32
        %dma_wait3A_72 = tpu.memref_slice %arg8[%run_scoped3A, %dma_wait3A_71] : memref<25x80xi32, #tpu.memory_space<vmem>> -> memref<1x80xi32, #tpu.memory_space<vmem>>
        %dma_wait3A_73 = tpu.memref_squeeze %dma_wait3A_72 : memref<1x80xi32, #tpu.memory_space<vmem>> -> memref<80xi32, #tpu.memory_space<vmem>>
        %dma_wait3A_74 = arith.constant 0 : i32
        %dma_wait3A_75 = arith.constant 0 : i32
        %dma_wait3A_76 = tpu.memref_slice %arg12[%dma_wait3A_74, %dma_wait3A_75] : memref<10240x128xf32, #tpu.memory_space<vmem_shared>> -> memref<10240x128xf32, #tpu.memory_space<vmem_shared>>
        tpu.wait_indirect_dma semaphore(%run_scoped3A_64 : memref<!tpu.dma_semaphore, #tpu.memory_space<semaphore_mem>>) src(%arg9 : memref<80x128xf32, #tpu.memory_space<vmem>>) dst(%dma_wait3A_76 : memref<10240x128xf32, #tpu.memory_space<vmem_shared>>)
        tpu.yield
      }) : () -> ()
    }
    %scan3A_19 = arith.constant 5 : i32
    %barrier3A_20 = arith.constant 0 : index
    tpu.barrier barrier_id(%barrier3A_20)
    %eq3A = arith.constant 0 : i32
    %eq3A_21 = arith.cmpi eq, %arg0, %eq3A : i32
    %convert_element_type3A = arith.extui %eq3A_21 : i1 to i32
    %cond3A = arith.constant 0 : i32
    %cond3A_22 = arith.cmpi ne, %convert_element_type3A, %cond3A : i32
    scf.if %cond3A_22 {
      %scan3A_28 = arith.constant 0 : i32
      %scan3A_29 = arith.constant 4 : i32
      %scan3A_30 = arith.addi %scan3A_28, %scan3A_29 : i32
      %scan3A_31 = arith.constant 1 : i32
      scf.for %scan3A_48 = %scan3A_28 to %scan3A_30 step %scan3A_31  : i32 {
        %mul3A_49 = arith.constant 2 : i32
        %mul3A_50 = arith.muli %scan3A_48, %mul3A_49 : i32
        %add3A_51 = arith.constant 0 : i32
        %add3A_52 = arith.addi %add3A_51, %mul3A_50 : i32
        %gt3A = arith.constant 0 : i32
        %gt3A_53 = arith.cmpi sgt, %add3A_52, %gt3A : i32
        %convert_element_type3A_54 = arith.extui %gt3A_53 : i1 to i32
        %cond3A_55 = arith.constant 0 : i32
        %cond3A_56 = arith.cmpi ne, %convert_element_type3A_54, %cond3A_55 : i32
        scf.if %cond3A_56 {
          %sub3A = arith.constant 2 : i32
          %sub3A_93 = arith.subi %add3A_52, %sub3A : i32
          %mul3A_94 = arith.constant 640 : i32
          %mul3A_95 = arith.muli %arg1, %mul3A_94 : i32
          %mul3A_96 = arith.constant 80 : i32
          %mul3A_97 = arith.muli %sub3A_93, %mul3A_96 : i32
          %add3A_98 = arith.addi %mul3A_95, %mul3A_97 : i32
          %dma_wait3A_99 = arith.constant 0 : i32
          %dma_wait3A_100 = tpu.memref_slice %arg5[%add3A_98, %dma_wait3A_99] : memref<10240x128xf32, #tpu.memory_space<hbm>> -> memref<80x128xf32, #tpu.memory_space<hbm>>
          %dma_wait3A_101 = arith.constant 0 : i32
          %dma_wait3A_102 = tpu.memref_slice %arg5[%add3A_98, %dma_wait3A_101] : memref<10240x128xf32, #tpu.memory_space<hbm>> -> memref<80x128xf32, #tpu.memory_space<hbm>>
          tpu.wait_dma2 semaphore(%arg13 : memref<!tpu.dma_semaphore, #tpu.memory_space<semaphore_mem>>) src(%arg9 : memref<80x128xf32, #tpu.memory_space<vmem>>) dst(%dma_wait3A_102 : memref<80x128xf32, #tpu.memory_space<hbm>>)
        } else {
        }
        %mul3A_57 = arith.constant 640 : i32
        %mul3A_58 = arith.muli %arg1, %mul3A_57 : i32
        %mul3A_59 = arith.constant 80 : i32
        %mul3A_60 = arith.muli %add3A_52, %mul3A_59 : i32
        %add3A_61 = arith.addi %mul3A_58, %mul3A_60 : i32
        "tpu.region"() ({
          %run_scoped3A = tpu.sem_alloc : memref<!tpu.dma_semaphore, #tpu.memory_space<semaphore_mem>>
          %dma_start3A_93 = arith.constant 0 : i32
          %dma_start3A_94 = tpu.memref_slice %arg12[%add3A_61, %dma_start3A_93] : memref<10240x128xf32, #tpu.memory_space<vmem_shared>> -> memref<80x128xf32, #tpu.memory_space<vmem_shared>>
          %dma_start3A_95 = arith.constant 0 : i32
          %dma_start3A_96 = tpu.memref_slice %arg12[%add3A_61, %dma_start3A_95] : memref<10240x128xf32, #tpu.memory_space<vmem_shared>> -> memref<80x128xf32, #tpu.memory_space<vmem_shared>>
          tpu.enqueue_dma source(%dma_start3A_96 : memref<80x128xf32, #tpu.memory_space<vmem_shared>>) target(%arg9 : memref<80x128xf32, #tpu.memory_space<vmem>>) target_semaphore(%run_scoped3A : memref<!tpu.dma_semaphore, #tpu.memory_space<semaphore_mem>>)
          %dma_wait3A_97 = arith.constant 0 : i32
          %dma_wait3A_98 = tpu.memref_slice %arg12[%add3A_61, %dma_wait3A_97] : memref<10240x128xf32, #tpu.memory_space<vmem_shared>> -> memref<80x128xf32, #tpu.memory_space<vmem_shared>>
          %dma_wait3A_99 = arith.constant 0 : i32
          %dma_wait3A_100 = tpu.memref_slice %arg12[%add3A_61, %dma_wait3A_99] : memref<10240x128xf32, #tpu.memory_space<vmem_shared>> -> memref<80x128xf32, #tpu.memory_space<vmem_shared>>
          tpu.wait_dma2 semaphore(%run_scoped3A : memref<!tpu.dma_semaphore, #tpu.memory_space<semaphore_mem>>) src(%dma_wait3A_100 : memref<80x128xf32, #tpu.memory_space<vmem_shared>>) dst(%arg9 : memref<80x128xf32, #tpu.memory_space<vmem>>)
          tpu.yield
        }) : () -> ()
        %mul3A_62 = arith.constant 640 : i32
        %mul3A_63 = arith.muli %arg1, %mul3A_62 : i32
        %mul3A_64 = arith.constant 80 : i32
        %mul3A_65 = arith.muli %add3A_52, %mul3A_64 : i32
        %add3A_66 = arith.addi %mul3A_63, %mul3A_65 : i32
        %dma_start3A = arith.constant 0 : i32
        %dma_start3A_67 = tpu.memref_slice %arg5[%add3A_66, %dma_start3A] : memref<10240x128xf32, #tpu.memory_space<hbm>> -> memref<80x128xf32, #tpu.memory_space<hbm>>
        %dma_start3A_68 = arith.constant 0 : i32
        %dma_start3A_69 = tpu.memref_slice %arg5[%add3A_66, %dma_start3A_68] : memref<10240x128xf32, #tpu.memory_space<hbm>> -> memref<80x128xf32, #tpu.memory_space<hbm>>
        tpu.enqueue_dma source(%arg9 : memref<80x128xf32, #tpu.memory_space<vmem>>) target(%dma_start3A_69 : memref<80x128xf32, #tpu.memory_space<hbm>>) target_semaphore(%arg13 : memref<!tpu.dma_semaphore, #tpu.memory_space<semaphore_mem>>)
        %gt3A_70 = arith.constant 0 : i32
        %gt3A_71 = arith.cmpi sgt, %add3A_52, %gt3A_70 : i32
        %convert_element_type3A_72 = arith.extui %gt3A_71 : i1 to i32
        %cond3A_73 = arith.constant 0 : i32
        %cond3A_74 = arith.cmpi ne, %convert_element_type3A_72, %cond3A_73 : i32
        scf.if %cond3A_74 {
          %sub3A = arith.constant 1 : i32
          %sub3A_93 = arith.subi %add3A_52, %sub3A : i32
          %mul3A_94 = arith.constant 640 : i32
          %mul3A_95 = arith.muli %arg1, %mul3A_94 : i32
          %mul3A_96 = arith.constant 80 : i32
          %mul3A_97 = arith.muli %sub3A_93, %mul3A_96 : i32
          %add3A_98 = arith.addi %mul3A_95, %mul3A_97 : i32
          %dma_wait3A_99 = arith.constant 0 : i32
          %dma_wait3A_100 = tpu.memref_slice %arg5[%add3A_98, %dma_wait3A_99] : memref<10240x128xf32, #tpu.memory_space<hbm>> -> memref<80x128xf32, #tpu.memory_space<hbm>>
          %dma_wait3A_101 = arith.constant 0 : i32
          %dma_wait3A_102 = tpu.memref_slice %arg5[%add3A_98, %dma_wait3A_101] : memref<10240x128xf32, #tpu.memory_space<hbm>> -> memref<80x128xf32, #tpu.memory_space<hbm>>
          tpu.wait_dma2 semaphore(%arg14 : memref<!tpu.dma_semaphore, #tpu.memory_space<semaphore_mem>>) src(%arg10 : memref<80x128xf32, #tpu.memory_space<vmem>>) dst(%dma_wait3A_102 : memref<80x128xf32, #tpu.memory_space<hbm>>)
        } else {
        }
        %mul3A_75 = arith.constant 640 : i32
        %mul3A_76 = arith.muli %arg1, %mul3A_75 : i32
        %add3A_77 = arith.constant 1 : i32
        %add3A_78 = arith.addi %add3A_52, %add3A_77 : i32
        %mul3A_79 = arith.constant 80 : i32
        %mul3A_80 = arith.muli %add3A_78, %mul3A_79 : i32
        %add3A_81 = arith.addi %mul3A_76, %mul3A_80 : i32
        "tpu.region"() ({
          %run_scoped3A = tpu.sem_alloc : memref<!tpu.dma_semaphore, #tpu.memory_space<semaphore_mem>>
          %dma_start3A_93 = arith.constant 0 : i32
          %dma_start3A_94 = tpu.memref_slice %arg12[%add3A_81, %dma_start3A_93] : memref<10240x128xf32, #tpu.memory_space<vmem_shared>> -> memref<80x128xf32, #tpu.memory_space<vmem_shared>>
          %dma_start3A_95 = arith.constant 0 : i32
          %dma_start3A_96 = tpu.memref_slice %arg12[%add3A_81, %dma_start3A_95] : memref<10240x128xf32, #tpu.memory_space<vmem_shared>> -> memref<80x128xf32, #tpu.memory_space<vmem_shared>>
          tpu.enqueue_dma source(%dma_start3A_96 : memref<80x128xf32, #tpu.memory_space<vmem_shared>>) target(%arg10 : memref<80x128xf32, #tpu.memory_space<vmem>>) target_semaphore(%run_scoped3A : memref<!tpu.dma_semaphore, #tpu.memory_space<semaphore_mem>>)
          %dma_wait3A_97 = arith.constant 0 : i32
          %dma_wait3A_98 = tpu.memref_slice %arg12[%add3A_81, %dma_wait3A_97] : memref<10240x128xf32, #tpu.memory_space<vmem_shared>> -> memref<80x128xf32, #tpu.memory_space<vmem_shared>>
          %dma_wait3A_99 = arith.constant 0 : i32
          %dma_wait3A_100 = tpu.memref_slice %arg12[%add3A_81, %dma_wait3A_99] : memref<10240x128xf32, #tpu.memory_space<vmem_shared>> -> memref<80x128xf32, #tpu.memory_space<vmem_shared>>
          tpu.wait_dma2 semaphore(%run_scoped3A : memref<!tpu.dma_semaphore, #tpu.memory_space<semaphore_mem>>) src(%dma_wait3A_100 : memref<80x128xf32, #tpu.memory_space<vmem_shared>>) dst(%arg10 : memref<80x128xf32, #tpu.memory_space<vmem>>)
          tpu.yield
        }) : () -> ()
        %add3A_82 = arith.constant 1 : i32
        %add3A_83 = arith.addi %add3A_52, %add3A_82 : i32
        %mul3A_84 = arith.constant 640 : i32
        %mul3A_85 = arith.muli %arg1, %mul3A_84 : i32
        %mul3A_86 = arith.constant 80 : i32
        %mul3A_87 = arith.muli %add3A_83, %mul3A_86 : i32
        %add3A_88 = arith.addi %mul3A_85, %mul3A_87 : i32
        %dma_start3A_89 = arith.constant 0 : i32
        %dma_start3A_90 = tpu.memref_slice %arg5[%add3A_88, %dma_start3A_89] : memref<10240x128xf32, #tpu.memory_space<hbm>> -> memref<80x128xf32, #tpu.memory_space<hbm>>
        %dma_start3A_91 = arith.constant 0 : i32
        %dma_start3A_92 = tpu.memref_slice %arg5[%add3A_88, %dma_start3A_91] : memref<10240x128xf32, #tpu.memory_space<hbm>> -> memref<80x128xf32, #tpu.memory_space<hbm>>
        tpu.enqueue_dma source(%arg10 : memref<80x128xf32, #tpu.memory_space<vmem>>) target(%dma_start3A_92 : memref<80x128xf32, #tpu.memory_space<hbm>>) target_semaphore(%arg14 : memref<!tpu.dma_semaphore, #tpu.memory_space<semaphore_mem>>)
      }
      %scan3A_32 = arith.constant 4 : i32
      %mul3A_33 = arith.constant 640 : i32
      %mul3A_34 = arith.muli %arg1, %mul3A_33 : i32
      %add3A_35 = arith.constant 480 : i32
      %add3A_36 = arith.addi %mul3A_34, %add3A_35 : i32
      %dma_wait3A = arith.constant 0 : i32
      %dma_wait3A_37 = tpu.memref_slice %arg5[%add3A_36, %dma_wait3A] : memref<10240x128xf32, #tpu.memory_space<hbm>> -> memref<80x128xf32, #tpu.memory_space<hbm>>
      %dma_wait3A_38 = arith.constant 0 : i32
      %dma_wait3A_39 = tpu.memref_slice %arg5[%add3A_36, %dma_wait3A_38] : memref<10240x128xf32, #tpu.memory_space<hbm>> -> memref<80x128xf32, #tpu.memory_space<hbm>>
      tpu.wait_dma2 semaphore(%arg13 : memref<!tpu.dma_semaphore, #tpu.memory_space<semaphore_mem>>) src(%arg9 : memref<80x128xf32, #tpu.memory_space<vmem>>) dst(%dma_wait3A_39 : memref<80x128xf32, #tpu.memory_space<hbm>>)
      %mul3A_40 = arith.constant 640 : i32
      %mul3A_41 = arith.muli %arg1, %mul3A_40 : i32
      %add3A_42 = arith.constant 560 : i32
      %add3A_43 = arith.addi %mul3A_41, %add3A_42 : i32
      %dma_wait3A_44 = arith.constant 0 : i32
      %dma_wait3A_45 = tpu.memref_slice %arg5[%add3A_43, %dma_wait3A_44] : memref<10240x128xf32, #tpu.memory_space<hbm>> -> memref<80x128xf32, #tpu.memory_space<hbm>>
      %dma_wait3A_46 = arith.constant 0 : i32
      %dma_wait3A_47 = tpu.memref_slice %arg5[%add3A_43, %dma_wait3A_46] : memref<10240x128xf32, #tpu.memory_space<hbm>> -> memref<80x128xf32, #tpu.memory_space<hbm>>
      tpu.wait_dma2 semaphore(%arg14 : memref<!tpu.dma_semaphore, #tpu.memory_space<semaphore_mem>>) src(%arg10 : memref<80x128xf32, #tpu.memory_space<vmem>>) dst(%dma_wait3A_47 : memref<80x128xf32, #tpu.memory_space<hbm>>)
    } else {
    }
    %eq3A_23 = arith.constant 1 : i32
    %eq3A_24 = arith.cmpi eq, %arg0, %eq3A_23 : i32
    %convert_element_type3A_25 = arith.extui %eq3A_24 : i1 to i32
    %cond3A_26 = arith.constant 0 : i32
    %cond3A_27 = arith.cmpi ne, %convert_element_type3A_25, %cond3A_26 : i32
    scf.if %cond3A_27 {
      %scan3A_28 = arith.constant 0 : i32
      %scan3A_29 = arith.constant 4 : i32
      %scan3A_30 = arith.addi %scan3A_28, %scan3A_29 : i32
      %scan3A_31 = arith.constant 1 : i32
      scf.for %scan3A_48 = %scan3A_28 to %scan3A_30 step %scan3A_31  : i32 {
        %mul3A_49 = arith.constant 2 : i32
        %mul3A_50 = arith.muli %scan3A_48, %mul3A_49 : i32
        %add3A_51 = arith.constant 0 : i32
        %add3A_52 = arith.addi %add3A_51, %mul3A_50 : i32
        %gt3A = arith.constant 0 : i32
        %gt3A_53 = arith.cmpi sgt, %add3A_52, %gt3A : i32
        %convert_element_type3A_54 = arith.extui %gt3A_53 : i1 to i32
        %cond3A_55 = arith.constant 0 : i32
        %cond3A_56 = arith.cmpi ne, %convert_element_type3A_54, %cond3A_55 : i32
        scf.if %cond3A_56 {
          %sub3A = arith.constant 2 : i32
          %sub3A_93 = arith.subi %add3A_52, %sub3A : i32
          %mul3A_94 = arith.constant 640 : i32
          %mul3A_95 = arith.muli %arg1, %mul3A_94 : i32
          %mul3A_96 = arith.constant 80 : i32
          %mul3A_97 = arith.muli %sub3A_93, %mul3A_96 : i32
          %add3A_98 = arith.addi %mul3A_95, %mul3A_97 : i32
          %dma_wait3A_99 = arith.constant 0 : i32
          %dma_wait3A_100 = tpu.memref_slice %arg6[%add3A_98, %dma_wait3A_99] : memref<10240x128xf32, #tpu.memory_space<hbm>> -> memref<80x128xf32, #tpu.memory_space<hbm>>
          %dma_wait3A_101 = arith.constant 0 : i32
          %dma_wait3A_102 = tpu.memref_slice %arg6[%add3A_98, %dma_wait3A_101] : memref<10240x128xf32, #tpu.memory_space<hbm>> -> memref<80x128xf32, #tpu.memory_space<hbm>>
          tpu.wait_dma2 semaphore(%arg13 : memref<!tpu.dma_semaphore, #tpu.memory_space<semaphore_mem>>) src(%arg9 : memref<80x128xf32, #tpu.memory_space<vmem>>) dst(%dma_wait3A_102 : memref<80x128xf32, #tpu.memory_space<hbm>>)
        } else {
        }
        %mul3A_57 = arith.constant 640 : i32
        %mul3A_58 = arith.muli %arg1, %mul3A_57 : i32
        %mul3A_59 = arith.constant 80 : i32
        %mul3A_60 = arith.muli %add3A_52, %mul3A_59 : i32
        %add3A_61 = arith.addi %mul3A_58, %mul3A_60 : i32
        "tpu.region"() ({
          %run_scoped3A = tpu.sem_alloc : memref<!tpu.dma_semaphore, #tpu.memory_space<semaphore_mem>>
          %dma_start3A_93 = arith.constant 0 : i32
          %dma_start3A_94 = tpu.memref_slice %arg12[%add3A_61, %dma_start3A_93] : memref<10240x128xf32, #tpu.memory_space<vmem_shared>> -> memref<80x128xf32, #tpu.memory_space<vmem_shared>>
          %dma_start3A_95 = arith.constant 0 : i32
          %dma_start3A_96 = tpu.memref_slice %arg12[%add3A_61, %dma_start3A_95] : memref<10240x128xf32, #tpu.memory_space<vmem_shared>> -> memref<80x128xf32, #tpu.memory_space<vmem_shared>>
          tpu.enqueue_dma source(%dma_start3A_96 : memref<80x128xf32, #tpu.memory_space<vmem_shared>>) target(%arg9 : memref<80x128xf32, #tpu.memory_space<vmem>>) target_semaphore(%run_scoped3A : memref<!tpu.dma_semaphore, #tpu.memory_space<semaphore_mem>>)
          %dma_wait3A_97 = arith.constant 0 : i32
          %dma_wait3A_98 = tpu.memref_slice %arg12[%add3A_61, %dma_wait3A_97] : memref<10240x128xf32, #tpu.memory_space<vmem_shared>> -> memref<80x128xf32, #tpu.memory_space<vmem_shared>>
          %dma_wait3A_99 = arith.constant 0 : i32
          %dma_wait3A_100 = tpu.memref_slice %arg12[%add3A_61, %dma_wait3A_99] : memref<10240x128xf32, #tpu.memory_space<vmem_shared>> -> memref<80x128xf32, #tpu.memory_space<vmem_shared>>
          tpu.wait_dma2 semaphore(%run_scoped3A : memref<!tpu.dma_semaphore, #tpu.memory_space<semaphore_mem>>) src(%dma_wait3A_100 : memref<80x128xf32, #tpu.memory_space<vmem_shared>>) dst(%arg9 : memref<80x128xf32, #tpu.memory_space<vmem>>)
          tpu.yield
        }) : () -> ()
        %mul3A_62 = arith.constant 640 : i32
        %mul3A_63 = arith.muli %arg1, %mul3A_62 : i32
        %mul3A_64 = arith.constant 80 : i32
        %mul3A_65 = arith.muli %add3A_52, %mul3A_64 : i32
        %add3A_66 = arith.addi %mul3A_63, %mul3A_65 : i32
        %dma_start3A = arith.constant 0 : i32
        %dma_start3A_67 = tpu.memref_slice %arg6[%add3A_66, %dma_start3A] : memref<10240x128xf32, #tpu.memory_space<hbm>> -> memref<80x128xf32, #tpu.memory_space<hbm>>
        %dma_start3A_68 = arith.constant 0 : i32
        %dma_start3A_69 = tpu.memref_slice %arg6[%add3A_66, %dma_start3A_68] : memref<10240x128xf32, #tpu.memory_space<hbm>> -> memref<80x128xf32, #tpu.memory_space<hbm>>
        tpu.enqueue_dma source(%arg9 : memref<80x128xf32, #tpu.memory_space<vmem>>) target(%dma_start3A_69 : memref<80x128xf32, #tpu.memory_space<hbm>>) target_semaphore(%arg13 : memref<!tpu.dma_semaphore, #tpu.memory_space<semaphore_mem>>)
        %gt3A_70 = arith.constant 0 : i32
        %gt3A_71 = arith.cmpi sgt, %add3A_52, %gt3A_70 : i32
        %convert_element_type3A_72 = arith.extui %gt3A_71 : i1 to i32
        %cond3A_73 = arith.constant 0 : i32
        %cond3A_74 = arith.cmpi ne, %convert_element_type3A_72, %cond3A_73 : i32
        scf.if %cond3A_74 {
          %sub3A = arith.constant 1 : i32
          %sub3A_93 = arith.subi %add3A_52, %sub3A : i32
          %mul3A_94 = arith.constant 640 : i32
          %mul3A_95 = arith.muli %arg1, %mul3A_94 : i32
          %mul3A_96 = arith.constant 80 : i32
          %mul3A_97 = arith.muli %sub3A_93, %mul3A_96 : i32
          %add3A_98 = arith.addi %mul3A_95, %mul3A_97 : i32
          %dma_wait3A_99 = arith.constant 0 : i32
          %dma_wait3A_100 = tpu.memref_slice %arg6[%add3A_98, %dma_wait3A_99] : memref<10240x128xf32, #tpu.memory_space<hbm>> -> memref<80x128xf32, #tpu.memory_space<hbm>>
          %dma_wait3A_101 = arith.constant 0 : i32
          %dma_wait3A_102 = tpu.memref_slice %arg6[%add3A_98, %dma_wait3A_101] : memref<10240x128xf32, #tpu.memory_space<hbm>> -> memref<80x128xf32, #tpu.memory_space<hbm>>
          tpu.wait_dma2 semaphore(%arg14 : memref<!tpu.dma_semaphore, #tpu.memory_space<semaphore_mem>>) src(%arg10 : memref<80x128xf32, #tpu.memory_space<vmem>>) dst(%dma_wait3A_102 : memref<80x128xf32, #tpu.memory_space<hbm>>)
        } else {
        }
        %mul3A_75 = arith.constant 640 : i32
        %mul3A_76 = arith.muli %arg1, %mul3A_75 : i32
        %add3A_77 = arith.constant 1 : i32
        %add3A_78 = arith.addi %add3A_52, %add3A_77 : i32
        %mul3A_79 = arith.constant 80 : i32
        %mul3A_80 = arith.muli %add3A_78, %mul3A_79 : i32
        %add3A_81 = arith.addi %mul3A_76, %mul3A_80 : i32
        "tpu.region"() ({
          %run_scoped3A = tpu.sem_alloc : memref<!tpu.dma_semaphore, #tpu.memory_space<semaphore_mem>>
          %dma_start3A_93 = arith.constant 0 : i32
          %dma_start3A_94 = tpu.memref_slice %arg12[%add3A_81, %dma_start3A_93] : memref<10240x128xf32, #tpu.memory_space<vmem_shared>> -> memref<80x128xf32, #tpu.memory_space<vmem_shared>>
          %dma_start3A_95 = arith.constant 0 : i32
          %dma_start3A_96 = tpu.memref_slice %arg12[%add3A_81, %dma_start3A_95] : memref<10240x128xf32, #tpu.memory_space<vmem_shared>> -> memref<80x128xf32, #tpu.memory_space<vmem_shared>>
          tpu.enqueue_dma source(%dma_start3A_96 : memref<80x128xf32, #tpu.memory_space<vmem_shared>>) target(%arg10 : memref<80x128xf32, #tpu.memory_space<vmem>>) target_semaphore(%run_scoped3A : memref<!tpu.dma_semaphore, #tpu.memory_space<semaphore_mem>>)
          %dma_wait3A_97 = arith.constant 0 : i32
          %dma_wait3A_98 = tpu.memref_slice %arg12[%add3A_81, %dma_wait3A_97] : memref<10240x128xf32, #tpu.memory_space<vmem_shared>> -> memref<80x128xf32, #tpu.memory_space<vmem_shared>>
          %dma_wait3A_99 = arith.constant 0 : i32
          %dma_wait3A_100 = tpu.memref_slice %arg12[%add3A_81, %dma_wait3A_99] : memref<10240x128xf32, #tpu.memory_space<vmem_shared>> -> memref<80x128xf32, #tpu.memory_space<vmem_shared>>
          tpu.wait_dma2 semaphore(%run_scoped3A : memref<!tpu.dma_semaphore, #tpu.memory_space<semaphore_mem>>) src(%dma_wait3A_100 : memref<80x128xf32, #tpu.memory_space<vmem_shared>>) dst(%arg10 : memref<80x128xf32, #tpu.memory_space<vmem>>)
          tpu.yield
        }) : () -> ()
        %add3A_82 = arith.constant 1 : i32
        %add3A_83 = arith.addi %add3A_52, %add3A_82 : i32
        %mul3A_84 = arith.constant 640 : i32
        %mul3A_85 = arith.muli %arg1, %mul3A_84 : i32
        %mul3A_86 = arith.constant 80 : i32
        %mul3A_87 = arith.muli %add3A_83, %mul3A_86 : i32
        %add3A_88 = arith.addi %mul3A_85, %mul3A_87 : i32
        %dma_start3A_89 = arith.constant 0 : i32
        %dma_start3A_90 = tpu.memref_slice %arg6[%add3A_88, %dma_start3A_89] : memref<10240x128xf32, #tpu.memory_space<hbm>> -> memref<80x128xf32, #tpu.memory_space<hbm>>
        %dma_start3A_91 = arith.constant 0 : i32
        %dma_start3A_92 = tpu.memref_slice %arg6[%add3A_88, %dma_start3A_91] : memref<10240x128xf32, #tpu.memory_space<hbm>> -> memref<80x128xf32, #tpu.memory_space<hbm>>
        tpu.enqueue_dma source(%arg10 : memref<80x128xf32, #tpu.memory_space<vmem>>) target(%dma_start3A_92 : memref<80x128xf32, #tpu.memory_space<hbm>>) target_semaphore(%arg14 : memref<!tpu.dma_semaphore, #tpu.memory_space<semaphore_mem>>)
      }
      %scan3A_32 = arith.constant 4 : i32
      %mul3A_33 = arith.constant 640 : i32
      %mul3A_34 = arith.muli %arg1, %mul3A_33 : i32
      %add3A_35 = arith.constant 480 : i32
      %add3A_36 = arith.addi %mul3A_34, %add3A_35 : i32
      %dma_wait3A = arith.constant 0 : i32
      %dma_wait3A_37 = tpu.memref_slice %arg6[%add3A_36, %dma_wait3A] : memref<10240x128xf32, #tpu.memory_space<hbm>> -> memref<80x128xf32, #tpu.memory_space<hbm>>
      %dma_wait3A_38 = arith.constant 0 : i32
      %dma_wait3A_39 = tpu.memref_slice %arg6[%add3A_36, %dma_wait3A_38] : memref<10240x128xf32, #tpu.memory_space<hbm>> -> memref<80x128xf32, #tpu.memory_space<hbm>>
      tpu.wait_dma2 semaphore(%arg13 : memref<!tpu.dma_semaphore, #tpu.memory_space<semaphore_mem>>) src(%arg9 : memref<80x128xf32, #tpu.memory_space<vmem>>) dst(%dma_wait3A_39 : memref<80x128xf32, #tpu.memory_space<hbm>>)
      %mul3A_40 = arith.constant 640 : i32
      %mul3A_41 = arith.muli %arg1, %mul3A_40 : i32
      %add3A_42 = arith.constant 560 : i32
      %add3A_43 = arith.addi %mul3A_41, %add3A_42 : i32
      %dma_wait3A_44 = arith.constant 0 : i32
      %dma_wait3A_45 = tpu.memref_slice %arg6[%add3A_43, %dma_wait3A_44] : memref<10240x128xf32, #tpu.memory_space<hbm>> -> memref<80x128xf32, #tpu.memory_space<hbm>>
      %dma_wait3A_46 = arith.constant 0 : i32
      %dma_wait3A_47 = tpu.memref_slice %arg6[%add3A_43, %dma_wait3A_46] : memref<10240x128xf32, #tpu.memory_space<hbm>> -> memref<80x128xf32, #tpu.memory_space<hbm>>
      tpu.wait_dma2 semaphore(%arg14 : memref<!tpu.dma_semaphore, #tpu.memory_space<semaphore_mem>>) src(%arg10 : memref<80x128xf32, #tpu.memory_space<vmem>>) dst(%dma_wait3A_47 : memref<80x128xf32, #tpu.memory_space<hbm>>)
    } else {
    }
    return
  }
}

module attributes {stable_mosaic.version = 14 : i64} {
  func.func @_tc_post_body(%arg0: i32, %arg1: memref<2000x128xf32, #tpu.memory_space<vmem>>, %arg2: memref<2000x128xf32, #tpu.memory_space<vmem>>, %arg3: memref<2000x128xf32, #tpu.memory_space<vmem>>, %arg4: memref<128x128xf32, #tpu.memory_space<vmem>>, %arg5: memref<128x128xf32, #tpu.memory_space<vmem>>, %arg6: memref<1x128xf32, #tpu.memory_space<vmem>>, %arg7: memref<1x128xf32, #tpu.memory_space<vmem>>, %arg8: memref<2000x128xf32, #tpu.memory_space<vmem>>, %arg9: memref<1x128xf32, #tpu.memory_space<vmem>>, %arg10: memref<1x128xf32, #tpu.memory_space<vmem>>) attributes {dimension_semantics = [#tpu.dimension_semantics<arbitrary>], iteration_bounds = array<i64: 5>, scalar_prefetch = 0 : i64, scratch_operands = 0 : i64, tpu.core_type = #tpu.core_type<tc>, window_params = [{transform_indices = @transform_0, window_bounds = array<i64: 2000, 128>}, {transform_indices = @transform_1, window_bounds = array<i64: 2000, 128>}, {transform_indices = @transform_2, window_bounds = array<i64: 2000, 128>}, {pipeline_mode = #tpu.pipeline_mode<synchronous>, transform_indices = @transform_3, window_bounds = array<i64: 128, 128>}, {pipeline_mode = #tpu.pipeline_mode<synchronous>, transform_indices = @transform_4, window_bounds = array<i64: 128, 128>}, {pipeline_mode = #tpu.pipeline_mode<synchronous>, transform_indices = @transform_5, window_bounds = array<i64: 1, 128>}, {pipeline_mode = #tpu.pipeline_mode<synchronous>, transform_indices = @transform_6, window_bounds = array<i64: 1, 128>}, {transform_indices = @transform_7, window_bounds = array<i64: 2000, 128>}, {pipeline_mode = #tpu.pipeline_mode<synchronous>, transform_indices = @transform_8, window_bounds = array<i64: 1, 128>}, {pipeline_mode = #tpu.pipeline_mode<synchronous>, transform_indices = @transform_9, window_bounds = array<i64: 1, 128>}]} {
    %get3A = arith.constant 0 : index
    %get3A_0 = arith.constant 0 : index
    %get3A_1 = vector.load %arg3[%get3A, %get3A_0] : memref<2000x128xf32, #tpu.memory_space<vmem>>, vector<2000x128xf32>
    %get3A_2 = arith.constant 0 : index
    %get3A_3 = arith.constant 0 : index
    %get3A_4 = vector.load %arg5[%get3A_2, %get3A_3] : memref<128x128xf32, #tpu.memory_space<vmem>>, vector<128x128xf32>
    %dot_general3A = arith.constant dense<0.000000e+00> : vector<2000x128xf32>
    %dot_general3A_5 = tpu.matmul %get3A_1, %get3A_4, %dot_general3A {dimension_numbers = #tpu.dot_dimension_numbers<[1], [0], [0], [1], [0, 0, 1, 1], [], []>, transpose_lhs_hint = false} : vector<2000x128xf32>, vector<128x128xf32>, vector<2000x128xf32> -> vector<2000x128xf32>
    %get3A_6 = arith.constant 0 : index
    %get3A_7 = arith.constant 0 : index
    %get3A_8 = vector.load %arg7[%get3A_6, %get3A_7] : memref<1x128xf32, #tpu.memory_space<vmem>>, vector<1x128xf32>
    %add3A = vector.broadcast %get3A_8 : vector<1x128xf32> to vector<2000x128xf32>
    %add3A_9 = arith.addf %dot_general3A_5, %add3A : vector<2000x128xf32>
    %max3A = arith.constant 0.000000e+00 : f32
    %max3A_10 = vector.broadcast %max3A : f32 to vector<2000x128xf32>
    %max3A_11 = arith.maximumf %add3A_9, %max3A_10 : vector<2000x128xf32>
    %add3A_12 = arith.addf %max3A_11, %get3A_1 : vector<2000x128xf32>
    %get3A_13 = arith.constant 0 : index
    %get3A_14 = arith.constant 0 : index
    %get3A_15 = vector.load %arg1[%get3A_13, %get3A_14] : memref<2000x128xf32, #tpu.memory_space<vmem>>, vector<2000x128xf32>
    %get3A_16 = arith.constant 0 : index
    %get3A_17 = arith.constant 0 : index
    %get3A_18 = vector.load %arg2[%get3A_16, %get3A_17] : memref<2000x128xf32, #tpu.memory_space<vmem>>, vector<2000x128xf32>
    %add3A_19 = arith.addf %get3A_15, %get3A_18 : vector<2000x128xf32>
    %get3A_20 = arith.constant 0 : index
    %get3A_21 = arith.constant 0 : index
    %get3A_22 = vector.load %arg4[%get3A_20, %get3A_21] : memref<128x128xf32, #tpu.memory_space<vmem>>, vector<128x128xf32>
    %dot_general3A_23 = arith.constant dense<0.000000e+00> : vector<2000x128xf32>
    %dot_general3A_24 = tpu.matmul %add3A_19, %get3A_22, %dot_general3A_23 {dimension_numbers = #tpu.dot_dimension_numbers<[1], [0], [0], [1], [0, 0, 1, 1], [], []>, precision = #tpu.contract_precision<fp32>, transpose_lhs_hint = false} : vector<2000x128xf32>, vector<128x128xf32>, vector<2000x128xf32> -> vector<2000x128xf32>
    %get3A_25 = arith.constant 0 : index
    %get3A_26 = arith.constant 0 : index
    %get3A_27 = vector.load %arg6[%get3A_25, %get3A_26] : memref<1x128xf32, #tpu.memory_space<vmem>>, vector<1x128xf32>
    %add3A_28 = vector.broadcast %get3A_27 : vector<1x128xf32> to vector<2000x128xf32>
    %add3A_29 = arith.addf %dot_general3A_24, %add3A_28 : vector<2000x128xf32>
    %max3A_30 = arith.constant 0.000000e+00 : f32
    %max3A_31 = vector.broadcast %max3A_30 : f32 to vector<2000x128xf32>
    %max3A_32 = arith.maximumf %add3A_29, %max3A_31 : vector<2000x128xf32>
    %add3A_33 = arith.addf %max3A_32, %add3A_12 : vector<2000x128xf32>
    %swap3A = arith.constant 0 : index
    %swap3A_34 = arith.constant 0 : index
    %swap3A_35 = vector.load %arg8[%swap3A, %swap3A_34] : memref<2000x128xf32, #tpu.memory_space<vmem>>, vector<2000x128xf32>
    tpu.vector_store %arg8[%swap3A, %swap3A_34], %add3A_33 {strides = array<i32>} : memref<2000x128xf32, #tpu.memory_space<vmem>>, vector<2000x128xf32>,
    %eq3A = arith.constant 0 : i32
    %eq3A_36 = arith.cmpi eq, %arg0, %eq3A : i32
    %convert_element_type3A = arith.extui %eq3A_36 : i1 to i32
    %cond3A = arith.constant 0 : i32
    %cond3A_37 = arith.cmpi ne, %convert_element_type3A, %cond3A : i32
    scf.if %cond3A_37 {
      %broadcast_in_dim3A_56 = arith.constant 0.000000e+00 : f32
      %broadcast_in_dim3A_57 = vector.broadcast %broadcast_in_dim3A_56 : f32 to vector<1x128xf32>
      %swap3A_58 = arith.constant 0 : index
      %swap3A_59 = arith.constant 0 : index
      %swap3A_60 = vector.load %arg9[%swap3A_58, %swap3A_59] : memref<1x128xf32, #tpu.memory_space<vmem>>, vector<1x128xf32>
      tpu.vector_store %arg9[%swap3A_58, %swap3A_59], %broadcast_in_dim3A_57 {strides = array<i32>} : memref<1x128xf32, #tpu.memory_space<vmem>>, vector<1x128xf32>,
      %broadcast_in_dim3A_61 = arith.constant 0.000000e+00 : f32
      %broadcast_in_dim3A_62 = vector.broadcast %broadcast_in_dim3A_61 : f32 to vector<1x128xf32>
      %swap3A_63 = arith.constant 0 : index
      %swap3A_64 = arith.constant 0 : index
      %swap3A_65 = vector.load %arg10[%swap3A_63, %swap3A_64] : memref<1x128xf32, #tpu.memory_space<vmem>>, vector<1x128xf32>
      tpu.vector_store %arg10[%swap3A_63, %swap3A_64], %broadcast_in_dim3A_62 {strides = array<i32>} : memref<1x128xf32, #tpu.memory_space<vmem>>, vector<1x128xf32>,
    } else {
    }
    %get3A_38 = arith.constant 0 : index
    %get3A_39 = arith.constant 0 : index
    %get3A_40 = vector.load %arg9[%get3A_38, %get3A_39] : memref<1x128xf32, #tpu.memory_space<vmem>>, vector<1x128xf32>
    %reduce_sum3A = arith.constant dense<0.000000e+00> : vector<128xf32>
    %reduce_sum3A_41 = vector.multi_reduction <add>, %add3A_33, %reduce_sum3A [0] : vector<2000x128xf32> to vector<128xf32>
    %broadcast_in_dim3A = vector.shape_cast %reduce_sum3A_41 : vector<128xf32> to vector<1x128xf32>
    %add3A_42 = arith.addf %get3A_40, %broadcast_in_dim3A : vector<1x128xf32>
    %swap3A_43 = arith.constant 0 : index
    %swap3A_44 = arith.constant 0 : index
    %swap3A_45 = vector.load %arg9[%swap3A_43, %swap3A_44] : memref<1x128xf32, #tpu.memory_space<vmem>>, vector<1x128xf32>
    tpu.vector_store %arg9[%swap3A_43, %swap3A_44], %add3A_42 {strides = array<i32>} : memref<1x128xf32, #tpu.memory_space<vmem>>, vector<1x128xf32>,
    %get3A_46 = arith.constant 0 : index
    %get3A_47 = arith.constant 0 : index
    %get3A_48 = vector.load %arg10[%get3A_46, %get3A_47] : memref<1x128xf32, #tpu.memory_space<vmem>>, vector<1x128xf32>
    %mul3A = arith.mulf %add3A_33, %add3A_33 : vector<2000x128xf32>
    %reduce_sum3A_49 = arith.constant dense<0.000000e+00> : vector<128xf32>
    %reduce_sum3A_50 = vector.multi_reduction <add>, %mul3A, %reduce_sum3A_49 [0] : vector<2000x128xf32> to vector<128xf32>
    %broadcast_in_dim3A_51 = vector.shape_cast %reduce_sum3A_50 : vector<128xf32> to vector<1x128xf32>
    %add3A_52 = arith.addf %get3A_48, %broadcast_in_dim3A_51 : vector<1x128xf32>
    %swap3A_53 = arith.constant 0 : index
    %swap3A_54 = arith.constant 0 : index
    %swap3A_55 = vector.load %arg10[%swap3A_53, %swap3A_54] : memref<1x128xf32, #tpu.memory_space<vmem>>, vector<1x128xf32>
    tpu.vector_store %arg10[%swap3A_53, %swap3A_54], %add3A_52 {strides = array<i32>} : memref<1x128xf32, #tpu.memory_space<vmem>>, vector<1x128xf32>,
    return
  }
  func.func @transform_0(%arg0: i32) -> (i32, i32) {
    %c0_i32 = arith.constant 0 : i32
    %c0_i32_0 = arith.constant 0 : i32
    return %arg0, %c0_i32 : i32, i32
  }
  func.func @transform_1(%arg0: i32) -> (i32, i32) {
    %c0_i32 = arith.constant 0 : i32
    %c0_i32_0 = arith.constant 0 : i32
    return %arg0, %c0_i32 : i32, i32
  }
  func.func @transform_2(%arg0: i32) -> (i32, i32) {
    %c0_i32 = arith.constant 0 : i32
    %c0_i32_0 = arith.constant 0 : i32
    return %arg0, %c0_i32 : i32, i32
  }
  func.func @transform_3(%arg0: i32) -> (i32, i32) {
    %c0_i32 = arith.constant 0 : i32
    %c0_i32_0 = arith.constant 0 : i32
    %c0_i32_1 = arith.constant 0 : i32
    return %c0_i32, %c0_i32_0 : i32, i32
  }
  func.func @transform_4(%arg0: i32) -> (i32, i32) {
    %c0_i32 = arith.constant 0 : i32
    %c0_i32_0 = arith.constant 0 : i32
    %c0_i32_1 = arith.constant 0 : i32
    return %c0_i32, %c0_i32_0 : i32, i32
  }
  func.func @transform_5(%arg0: i32) -> (i32, i32) {
    %c0_i32 = arith.constant 0 : i32
    %c0_i32_0 = arith.constant 0 : i32
    %c0_i32_1 = arith.constant 0 : i32
    return %c0_i32, %c0_i32_0 : i32, i32
  }
  func.func @transform_6(%arg0: i32) -> (i32, i32) {
    %c0_i32 = arith.constant 0 : i32
    %c0_i32_0 = arith.constant 0 : i32
    %c0_i32_1 = arith.constant 0 : i32
    return %c0_i32, %c0_i32_0 : i32, i32
  }
  func.func @transform_7(%arg0: i32) -> (i32, i32) {
    %c0_i32 = arith.constant 0 : i32
    %c0_i32_0 = arith.constant 0 : i32
    return %arg0, %c0_i32 : i32, i32
  }
  func.func @transform_8(%arg0: i32) -> (i32, i32) {
    %c0_i32 = arith.constant 0 : i32
    %c0_i32_0 = arith.constant 0 : i32
    %c0_i32_1 = arith.constant 0 : i32
    return %c0_i32, %c0_i32_0 : i32, i32
  }
  func.func @transform_9(%arg0: i32) -> (i32, i32) {
    %c0_i32 = arith.constant 0 : i32
    %c0_i32_0 = arith.constant 0 : i32
    %c0_i32_1 = arith.constant 0 : i32
    return %c0_i32, %c0_i32_0 : i32, i32
  }
}

module attributes {stable_mosaic.version = 14 : i64} {
  func.func @_tc_norm_body(%arg0: i32, %arg1: memref<2000x128xf32, #tpu.memory_space<vmem>>, %arg2: memref<1x128xf32, #tpu.memory_space<vmem>>, %arg3: memref<1x128xf32, #tpu.memory_space<vmem>>, %arg4: memref<1x128xf32, #tpu.memory_space<vmem>>, %arg5: memref<1x128xf32, #tpu.memory_space<vmem>>, %arg6: memref<2000x128xf32, #tpu.memory_space<vmem>>) attributes {dimension_semantics = [#tpu.dimension_semantics<arbitrary>], iteration_bounds = array<i64: 5>, scalar_prefetch = 0 : i64, scratch_operands = 0 : i64, tpu.core_type = #tpu.core_type<tc>, window_params = [{transform_indices = @transform_0, window_bounds = array<i64: 2000, 128>}, {pipeline_mode = #tpu.pipeline_mode<synchronous>, transform_indices = @transform_1, window_bounds = array<i64: 1, 128>}, {pipeline_mode = #tpu.pipeline_mode<synchronous>, transform_indices = @transform_2, window_bounds = array<i64: 1, 128>}, {pipeline_mode = #tpu.pipeline_mode<synchronous>, transform_indices = @transform_3, window_bounds = array<i64: 1, 128>}, {pipeline_mode = #tpu.pipeline_mode<synchronous>, transform_indices = @transform_4, window_bounds = array<i64: 1, 128>}, {transform_indices = @transform_5, window_bounds = array<i64: 2000, 128>}]} {
    %get3A = arith.constant 0 : index
    %get3A_0 = arith.constant 0 : index
    %get3A_1 = vector.load %arg2[%get3A, %get3A_0] : memref<1x128xf32, #tpu.memory_space<vmem>>, vector<1x128xf32>
    %div3A = arith.constant 1.000000e+04 : f32
    %div3A_2 = vector.broadcast %div3A : f32 to vector<1x128xf32>
    %div3A_3 = arith.divf %get3A_1, %div3A_2 : vector<1x128xf32>
    %get3A_4 = arith.constant 0 : index
    %get3A_5 = arith.constant 0 : index
    %get3A_6 = vector.load %arg3[%get3A_4, %get3A_5] : memref<1x128xf32, #tpu.memory_space<vmem>>, vector<1x128xf32>
    %div3A_7 = arith.constant 1.000000e+04 : f32
    %div3A_8 = vector.broadcast %div3A_7 : f32 to vector<1x128xf32>
    %div3A_9 = arith.divf %get3A_6, %div3A_8 : vector<1x128xf32>
    %mul3A = arith.mulf %div3A_3, %div3A_3 : vector<1x128xf32>
    %sub3A = arith.subf %div3A_9, %mul3A : vector<1x128xf32>
    %add3A = arith.constant 9.99999974E-6 : f32
    %add3A_10 = vector.broadcast %add3A : f32 to vector<1x128xf32>
    %add3A_11 = arith.addf %sub3A, %add3A_10 : vector<1x128xf32>
    %rsqrt3A = math.rsqrt %add3A_11 : vector<1x128xf32>
    %get3A_12 = arith.constant 0 : index
    %get3A_13 = arith.constant 0 : index
    %get3A_14 = vector.load %arg1[%get3A_12, %get3A_13] : memref<2000x128xf32, #tpu.memory_space<vmem>>, vector<2000x128xf32>
    %sub3A_15 = vector.broadcast %div3A_3 : vector<1x128xf32> to vector<2000x128xf32>
    %sub3A_16 = arith.subf %get3A_14, %sub3A_15 : vector<2000x128xf32>
    %get3A_17 = arith.constant 0 : index
    %get3A_18 = arith.constant 0 : index
    %get3A_19 = vector.load %arg4[%get3A_17, %get3A_18] : memref<1x128xf32, #tpu.memory_space<vmem>>, vector<1x128xf32>
    %mul3A_20 = arith.mulf %rsqrt3A, %get3A_19 : vector<1x128xf32>
    %mul3A_21 = vector.broadcast %mul3A_20 : vector<1x128xf32> to vector<2000x128xf32>
    %mul3A_22 = arith.mulf %sub3A_16, %mul3A_21 : vector<2000x128xf32>
    %get3A_23 = arith.constant 0 : index
    %get3A_24 = arith.constant 0 : index
    %get3A_25 = vector.load %arg5[%get3A_23, %get3A_24] : memref<1x128xf32, #tpu.memory_space<vmem>>, vector<1x128xf32>
    %add3A_26 = vector.broadcast %get3A_25 : vector<1x128xf32> to vector<2000x128xf32>
    %add3A_27 = arith.addf %mul3A_22, %add3A_26 : vector<2000x128xf32>
    %swap3A = arith.constant 0 : index
    %swap3A_28 = arith.constant 0 : index
    %swap3A_29 = vector.load %arg6[%swap3A, %swap3A_28] : memref<2000x128xf32, #tpu.memory_space<vmem>>, vector<2000x128xf32>
    tpu.vector_store %arg6[%swap3A, %swap3A_28], %add3A_27 {strides = array<i32>} : memref<2000x128xf32, #tpu.memory_space<vmem>>, vector<2000x128xf32>,
    return
  }
  func.func @transform_0(%arg0: i32) -> (i32, i32) {
    %c0_i32 = arith.constant 0 : i32
    %c0_i32_0 = arith.constant 0 : i32
    return %arg0, %c0_i32 : i32, i32
  }
  func.func @transform_1(%arg0: i32) -> (i32, i32) {
    %c0_i32 = arith.constant 0 : i32
    %c0_i32_0 = arith.constant 0 : i32
    %c0_i32_1 = arith.constant 0 : i32
    return %c0_i32, %c0_i32_0 : i32, i32
  }
  func.func @transform_2(%arg0: i32) -> (i32, i32) {
    %c0_i32 = arith.constant 0 : i32
    %c0_i32_0 = arith.constant 0 : i32
    %c0_i32_1 = arith.constant 0 : i32
    return %c0_i32, %c0_i32_0 : i32, i32
  }
  func.func @transform_3(%arg0: i32) -> (i32, i32) {
    %c0_i32 = arith.constant 0 : i32
    %c0_i32_0 = arith.constant 0 : i32
    %c0_i32_1 = arith.constant 0 : i32
    return %c0_i32, %c0_i32_0 : i32, i32
  }
  func.func @transform_4(%arg0: i32) -> (i32, i32) {
    %c0_i32 = arith.constant 0 : i32
    %c0_i32_0 = arith.constant 0 : i32
    %c0_i32_1 = arith.constant 0 : i32
    return %c0_i32, %c0_i32_0 : i32, i32
  }
  func.func @transform_5(%arg0: i32) -> (i32, i32) {
    %c0_i32 = arith.constant 0 : i32
    %c0_i32_0 = arith.constant 0 : i32
    return %arg0, %c0_i32 : i32, i32
  }
}

</mosaic_0001>

<sc_bundles>
// kernel: kernel.5.cloned.1.call-start
scs
__scs_entry_jumppad:
0x0: {  	(pc) =	sbr.rel $0x88, $3  }
0x1: {  	(tag) =	ssettag $0x0;
	lr =	simm.s32 $0x1  }
0x2: {  	[smem:$0x3F99] =	sst lr;
	_ =	strace $0xD0000000  }
0x3: {  	_ = 	snop  }
0x4: {  	_ = 	snop  }
0x5: {  	_ = 	snop  }
0x6: {  	_ = 	snop  }
0x7: {  	_ = 	snop  }
__scs_overlays_trampoline_lowered:
0x8: {  	[smem:$0x3FA8] =	sst s0  }
0x9: {  	[smem:$0x3FA9] =	sst s1  }
0xa: {  	[smem:$0x3FAA] =	sst s2  }
0xb: {  	[smem:$0x3FAB] =	sst s3  }
0xc: {  	[smem:$0x3FAC] =	sst s4  }
0xd: {  	[smem:$0x3FAD] =	sst s5  }
0xe: {  	[smem:$0x3FAE] =	sst s6  }
0xf: {  	[smem:$0x3FAF] =	sst s7  }
0x10: {  	[smem:$0x3FB0] =	sst s8  }
0x11: {  	[smem:$0x3FB1] =	sst s9;
	s0 =	simm.s32 @!p0 $0x0  }
0x12: {  	s1 =	sld [smem:$0x3F97];
	s0 =	simm.s32 @p0 $0x1  }
0x13: {  	[smem:$0x3FB2] =	sst s0;
	s0 =	simm.s32 @!p1 $0x0  }
0x14: {  	s2 =	sld [smem:$0x3F96];
	s0 =	simm.s32 @p1 $0x1  }
0x15: {  	[smem:$0x3FB3] =	sst s0;
	s0 =	simm.s32 @!p2 $0x0  }
0x16: {  	s3 =	sld [smem:$0x3FDB];
	s0 =	simm.s32 @p2 $0x1  }
0x17: {  	s4 =	simm.s32 $0x1BF5;
	[smem:$0x3FB5] =	sst s0  }
0x18: {  	s0 =	sld [smem:$0x3F98];
	_ =	swait.ge [sflag:s4], $0x0  }
0x19: {  	s7 =	sld [smem:$0x3F99]  }
0x1a: {  	s8 =	sadd.s32 $0xFFFFE003, lr  }
0x1b: {  	s9 =	sadd.s32 $0xFFFFFEF7, lr;
	s5 =	simm.s32 $0xFFFFFFFF;
	p2 =	slt.u32 s8, $0xFFFFF086  }
0x1c: {  	p1 =	slt.u32 s9, $0xF7A;
	s5 =	simm.s32 @!p2 $0x0  }
0x1d: {  	s5 =	simm.s32 @p1 $0x1;
	p0 =	seq.s32 s7, s2  }
0x1e: {  	s7 =	smul.u32 @!p0 $0xF7A, s2;
	p2 =	seq.s32 @!p0 s5, $0x0  }
0x1f: {  	s9 =	smul.u32 $0xF7A, s1;
	s8 =	simm.s32 @!p0 $0x1BF5;
	p2 =	por !p2, p0  }
0x20: {  	[sflag:s8] =	ssyncset.s32 @!p0 $0xFFFFF086;
	s6 =	sadd.s32 @!p0 s3, s7;
	s7 =	simm.s32 @!p0 $0x108  }
0x21: {  	s3 =	sadd.s32 s3, s9;
	s6 =	sadd.s32 @!p0 $0x88, s6;
	s7 =	simm.s32 @p2 $0x1082  }
0x22: {  	[simem:s7], [sflag:s8] =	dma.local @!p0 [hbm:s6], $0xF7A  }
0x23: {  	s9 =	sor.u32 $0xD0000000, s2;
	s6 =	simm.s32 $0x108;
	_ =	swait.ge @!p0 [sflag:s8], $0x0  }
0x24: {  	s3 =	sadd.s32 $0x88, s3;
	s6 =	simm.s32 @!p1 $0x1082;
	[sflag:s4] =	ssyncset.s32 $0xFFFFF086  }
0x25: {  	[simem:s6], [sflag:s4] =	dma.local [hbm:s3], $0xF7A  }
0x26: {  	[smem:$0x3F99] =	sst s1;
	(tag) =	ssettag s2;
	_ =	strace s9  }
0x27: {  	s1 =	sld [smem:$0x3FA9]  }
0x28: {  	s2 =	sld [smem:$0x3FAA]  }
0x29: {  	s4 =	sld [smem:$0x3FAC]  }
0x2a: {  	p0 =	seq.s32 s5, $0x0;
	s5 =	sld [smem:$0x3FAD]  }
0x2b: {  	s6 =	sld [smem:$0x3FAE]  }
0x2c: {  	s7 =	sld [smem:$0x3FAF]  }
0x2d: {  	s3 =	simm.s32 $0x108;
	s8 =	sld [smem:$0x3FB0]  }
0x2e: {  	s3 =	simm.s32 @!p0 $0x1082;
	s9 =	sld [smem:$0x3FB1]  }
0x2f: {  	lr =	sadd.s32 s0, s3;
	s0 =	sld [smem:$0x3FA8]  }
0x30: {  	s3 =	sld [smem:$0x3FAB]  }
0x31: {  	[smem:$0x3FB4] =	sst s10  }
0x32: {  	s10 =	sld [smem:$0x3FB2];
	_ =	sdelay $0x3  }
0x33: {  	p0 =	seq.s32 s10, $0x1;
	s10 =	sld [smem:$0x3FB4];
	_ =	sdelay $0x3  }
0x34: {  	[smem:$0x3FB4] =	sst s10  }
0x35: {  	s10 =	sld [smem:$0x3FB3];
	_ =	sdelay $0x3  }
0x36: {  	p1 =	seq.s32 s10, $0x1;
	s10 =	sld [smem:$0x3FB4];
	_ =	sdelay $0x3  }
0x37: {  	[smem:$0x3FB4] =	sst s10  }
0x38: {  	s10 =	sld [smem:$0x3FB5]  }
0x39: {  	_ = 	snop;
	(pc) =	sbr.ind lr, $3  }
0x3a: {  	_ = 	snop  }
0x3b: {  	_ = 	snop  }
0x3c: {  	p2 =	seq.s32 s10, $0x1;
	s10 =	sld [smem:$0x3FB4]  }
0x3d: {  	_ =	shalt  }
0x3e: {  	_ =	shalt  }
0x3f: {  	_ =	shalt  }
0x40: {  	_ =	shalt  }
0x41: {  	_ =	shalt  }
0x42: {  	_ =	shalt  }
0x43: {  	_ =	shalt  }
0x44: {  	_ =	shalt  }
0x45: {  	_ =	shalt  }
0x46: {  	_ =	shalt  }
0x47: {  	_ =	shalt  }
0x48: {  	_ =	shalt  }
0x49: {  	_ =	shalt  }
0x4a: {  	_ =	shalt  }
0x4b: {  	_ =	shalt  }
0x4c: {  	_ =	shalt  }
0x4d: {  	_ =	shalt  }
0x4e: {  	_ =	shalt  }
0x4f: {  	_ =	shalt  }
0x50: {  	_ =	shalt  }
0x51: {  	_ =	shalt  }
0x52: {  	_ =	shalt  }
0x53: {  	_ =	shalt  }
0x54: {  	_ =	shalt  }
0x55: {  	_ =	shalt  }
0x56: {  	_ =	shalt  }
0x57: {  	_ =	shalt  }
0x58: {  	_ =	shalt  }
0x59: {  	_ =	shalt  }
0x5a: {  	_ =	shalt  }
0x5b: {  	_ =	shalt  }
0x5c: {  	_ =	shalt  }
0x5d: {  	_ =	shalt  }
0x5e: {  	_ =	shalt  }
0x5f: {  	_ =	shalt  }
0x60: {  	_ =	shalt  }
0x61: {  	_ =	shalt  }
0x62: {  	_ =	shalt  }
0x63: {  	_ =	shalt  }
0x64: {  	_ =	shalt  }
0x65: {  	_ =	shalt  }
0x66: {  	_ =	shalt  }
0x67: {  	_ =	shalt  }
0x68: {  	_ =	shalt  }
0x69: {  	_ =	shalt  }
0x6a: {  	_ =	shalt  }
0x6b: {  	_ =	shalt  }
0x6c: {  	_ =	shalt  }
0x6d: {  	_ =	shalt  }
0x6e: {  	_ =	shalt  }
0x6f: {  	_ =	shalt  }
0x70: {  	_ =	shalt  }
0x71: {  	_ =	shalt  }
0x72: {  	_ =	shalt  }
0x73: {  	_ =	shalt  }
0x74: {  	_ =	shalt  }
0x75: {  	_ =	shalt  }
0x76: {  	_ =	shalt  }
0x77: {  	_ =	shalt  }
0x78: {  	_ =	shalt  }
0x79: {  	_ =	shalt  }
0x7a: {  	_ =	shalt  }
0x7b: {  	_ =	shalt  }
0x7c: {  	_ =	shalt  }
0x7d: {  	_ =	shalt  }
0x7e: {  	_ =	shalt  }
0x7f: {  	_ =	shalt  }
0x80: {  	_ =	shalt  }
0x81: {  	_ =	shalt  }
0x82: {  	_ =	shalt  }
0x83: {  	_ =	shalt  }
0x84: {  	_ =	shalt  }
0x85: {  	_ =	shalt  }
0x86: {  	_ =	shalt  }
0x87: {  	_ =	shalt  }
.Lfunc_end0:
.L_simem_size_0:
called_computation_lowered:
.L_overlay_start_0:
0x88: {  	s2 =	sld [smem:$0x3FD9]  }
0x89: {  	s3 =	sld [smem:$0x3FFE];
	_ =	sdelay $0x1  }
0x8a: {  	s1 =	srdreg.scid  }
0x8b: {  	s0 =	sand.u32 $0x1, s1  }
0x8c: {  	s17 =	sshll.u32 s0, $0xA;
	s2 =	sadd.s32 s3, s2  }
0x8d: {  	s2 =	sadd.s32 s2, s17  }
0x8e: {  	[smem:$0x3FC0] =	sst s2  }
0x8f: {  	_ = 	snop  }
0x90: {  	s2 =	sld [smem:$0x3FC8]  }
0x91: {  	s18 =	sld [smem:$0x3FD0];
	(tm) =	ssettm $0x1  }
0x92: {  	s4 =	sld [smem:$0x3FFB];
	_ =	sdelay $0x3  }
0x93: {  	_ =	strace s4  }
0x94: {  	s4 =	sld [smem:$0x3FFC];
	_ =	sdelay $0x3  }
0x95: {  	_ =	strace s4  }
0x96: {  	s4 =	sld [smem:$0x3FFD];
	_ =	sdelay $0x3  }
0x97: {  	_ =	strace s4  }
0x98: {  	_ =	strace $0x8FFFFFFF  }
0x99: {  	s19 =	sld [smem:$0x3FDB];
	_ =	sdelay $0x1  }
0x9a: {  	s5 =	simm.s32 $_scs_section_size  }
0x9b: {  	s6 =	simm.s32 $_size__tile_overlayer_lowered;
	s7 =	simm.s32 $_tile_overlayer_lowered  }
0x9c: {  	s22 =	simm.s32 $0x1BFF;
	s21 =	sshll.u32 s7, $0x1;
	s4 =	sadd.s32 s5, s19  }
0x9d: {  	s8 =	simm.s32 $0x0;
	s20 =	sshll.u32 s6, $0x1;
	s6 =	sadd.s32 s21, s4  }
0x9e: {  	[timem:s8], [sflag:s22] =	dma.local [hbm:s6], s20  }
0x9f: {  	_ =	swait.ge [sflag:s22], s20  }
0xa0: {  	s5 =	ssub.s32 $0x0, s20;
	[sflag:s22] =	ssyncset.done $0x0  }
0xa1: {  	[sflag:s22] =	ssyncadd.s32 s5;
	_ =	sdelay $0x1  }
0xa2: {  	s23 =	simm.s32 $0x1B8B  }
0xa3: {  	_ =	swait.ge [sflag:s23], $0x1  }
0xa4: {  	[sflag:s23] =	ssyncset.done $0x0  }
0xa5: {  	s25 =	simm.s32 $0x1B8E;
	s24 =	sld [smem:$0x3FFE];
	[sflag:s23] =	ssyncadd.s32 $0xFFFFFFFF  }
0xa6: {  	s26 =	simm.s32 $execute0_lowered;
	[smem:$0x3FD2] =	sst s25  }
0xa7: {  	s6 =	sshll.u32 s26, $0x1;
	_ =	strace $0x80000046;
	[dreg:$0x1] =	wrdreg $0xFFFFFFFF  }
0xa8: {  	s28 =	simm.s32 $_size_execute0_lowered;
	s4 =	sadd.s32 s4, s6;
	[dreg:$0x0] =	wrdreg $0x0  }
0xa9: {  	s6 =	sshll.u32 s28, $0x1;
	[dreg:$0x2] =	wrdreg s4  }
0xaa: {  	[dreg:$0x3] =	wrdreg s6  }
0xab: {  	[dreg:$0x4] =	wrdreg $0xC0  }
0xac: {  	_ =	task [dreg:s8], $0x5FFFF  }
0xad: {  	[dreg:$0x1] =	wrdreg $0xFFFFFFFF  }
0xae: {  	[dreg:$0x0] =	wrdreg $0x60  }
0xaf: {  	[dreg:$0x2] =	wrdreg s2  }
0xb0: {  	[dreg:$0x3] =	wrdreg s18  }
0xb1: {  	[dreg:$0x4] =	wrdreg s24  }
0xb2: {  	[dreg:$0x5] =	wrdreg $0x98000  }
0xb3: {  	[dreg:$0x6] =	wrdreg $0x9  }
0xb4: {  	_ =	task.clear_ibuf [dreg:s8], $0x7FFFF;
	_ =	strace $0x90000046  }
0xb5: {  	s29 =	simm.s32 $0x9;
	_ =	strace $0x80000048  }
0xb6: {  	_ =	swait.ge [sflag:s29], $0x1  }
0xb7: {  	[sflag:s29] =	ssyncadd.s32 $0xFFFFFFFF  }
0xb8: {  	_ =	strace $0x90000048  }
0xb9: {  	_ =	sfence  }
0xba: {  	s30 =	sld [smem:$0x0];
	_ =	sdelay $0x2  }
0xbb: {  	s31 =	sshll.u32 s1, $0xD;
	s1 =	sshrl.u32 s1, $0x2  }
0xbc: {  	s3 =	sand.u32 $0x4000, s31;
	s1 =	sadd.s32 s1, s30  }
0xbd: {  	s0 =	sor.u32 s3, s0;
	s1 =	sshll.u32 s1, $0x11  }
0xbe: {  	s0 =	sor.u32 s1, s0  }
0xbf: {  	s0 =	sadd.s32 $0x8F2B, s0  }
0xc0: {  	[sflag:s0] =	ssyncadd.remote.s32 $0x1  }
0xc1: {  	_ =	sfence.sel $0xFFFF  }
0xc2: {  	[dreg:$0x0] =	wrdreg $0xFFFFFFFF;
	(pc) =	sbr.abs _section_cstart, $3  }
0xc3: {  	[dreg:$0x1] =	wrdreg $0xFFFFFFFF  }
0xc4: {  	_ =	task.clear_ibuf [dreg:s8], $0x2FFFF;
	_ =	strace $0x9FFFFFFF  }
0xc5: {  	(tm) =	ssettm $0x7FFFFFFF  }
tec
execute0_lowered:
.L_overlay_start_1:
0x0: {  	(tag) =	ssettag $0x1  }
0x1: {  	s0 =	rddreg [dreg:$0x0]  }
0x2: {  	s5 =	rddreg [dreg:$0x1]  }
0x3: {  	s2 =	rddreg [dreg:$0x2];
	s1 =	srdreg.scid  }
0x4: {  	s3 =	rddreg [dreg:$0x3];
	s12 =	stileid.u32;
	s4 =	simm.s32 $0x0  }
0x5: {  	s15 =	simm.s32 $0x80;
	s17 =	simm.s32 $0x100;
	[smem:$0x7FF] =	sst s4  }
0x6: {  	s19 =	simm.s32 $0x180;
	_ =	strace $0x80000047;
	[dreg:$0x7] =	wrdreg s15  }
0x7: {  	s21 =	simm.s32 $0x1080;
	s23 =	simm.s32 $0x200;
	[dreg:$0x8] =	wrdreg s17  }
0x8: {  	s25 =	simm.s32 $0x1100;
	s28 =	simm.s32 $0x1;
	[dreg:$0x9] =	wrdreg s19  }
0x9: {  	s29 =	simm.s32 $0x4;
	s30 =	simm.s32 $0x1000;
	[dreg:$0xa] =	wrdreg s21  }
0xa: {  	s31 =	simm.s32 $0x50;
	s1 =	sand.u32 $0x1, s1;
	[dreg:$0xb] =	wrdreg s23  }
0xb: {  	s7 =	smul.u32 $0x5000, s12;
	[dreg:$0xc] =	wrdreg s25;
	s15 =	simm.s32 $0x380  }
0xc: {  	s11 =	smul.u32 $0x50000, s12;
	s17 =	simm.s32 $0x400;
	[dreg:$0x11] =	wrdreg s15  }
0xd: {  	s6 =	smul.u32 $0x50000, s1;
	s19 =	simm.s32 $0x480;
	[dreg:$0x13] =	wrdreg s17  }
0xe: {  	s8 =	ssub.s32 $0x2, s1;
	s21 =	simm.s32 $0x1380;
	[dreg:$0x15] =	wrdreg s19  }
0xf: {  	p0 =	seq.s32 s1, $0x1;
	s23 =	simm.s32 $0x1400;
	[dreg:$0x16] =	wrdreg s21  }
0x10: {  	s25 =	simm.s32 $0x1480;
	s10 =	sshrl.u32 s8, $0x1;
	[dreg:$0x18] =	wrdreg s23  }
0x11: {  	s13 =	sshrl.u32 s11, $0x2;
	s11 =	simm.s32 $0x1180;
	[dreg:$0x1a] =	wrdreg s25  }
0x12: {  	s17 =	simm.s32 $0x3DA00;
	s19 =	simm.s32 $0x680;
	[dreg:$0xe] =	wrdreg s11  }
0x13: {  	s21 =	simm.s32 $0x1580;
	s23 =	simm.s32 $0x700;
	[dreg:$0x1d] =	wrdreg s19  }
0x14: {  	s25 =	simm.s32 $0x1600;
	s6 =	sadd.s32 s7, s6;
	[dreg:$0x1e] =	wrdreg s21  }
0x15: {  	s7 =	smul.u32 $0x280, s12;
	s8 =	ssub.s32 s8, s10;
	[dreg:$0x1f] =	wrdreg s23  }
0x16: {  	s20 =	sadd.s32 s13, s3;
	s10 =	simm.s32 $0x280;
	[smem:$0x7EA] =	sst s25  }
0x17: {  	s13 =	simm.s32 $0x300;
	s17 =	simm.s32 @!p0 $0x15A00;
	[dreg:$0xd] =	wrdreg s10  }
0x18: {  	s19 =	simm.s32 $0x1780;
	s21 =	simm.s32 $0x900;
	[dreg:$0xf] =	wrdreg s13  }
0x19: {  	s6 =	sshrl.u32 s6, $0x3;
	s8 =	smax.u32 s8, $0x1;
	[smem:$0x7F5] =	sst s19  }
0x1a: {  	s14 =	sadd.s32 $0x2800, s20;
	s22 =	sadd.s32 $0x7800, s20;
	[smem:$0x7F6] =	sst s21  }
0x1b: {  	s10 =	smul.u32 $0x2800, s12;
	s19 =	simm.s32 $0xB80;
	[smem:$0x7FC] =	sst s20  }
0x1c: {  	s21 =	simm.s32 $0x1A80;
	s9 =	sadd.s32 s6, s2;
	[smem:$0x7E1] =	sst s8  }
0x1d: {  	s1 =	sor.u32 $0x50, s7;
	s5 =	sadd.s32 s6, s5;
	[smem:$0x7E2] =	sst s14  }
0x1e: {  	s16 =	sadd.s32 $0xA0, s7;
	[smem:$0x7E4] =	sst s22;
	s24 =	sadd.s32 $0x140, s7  }
0x1f: {  	s14 =	simm.s32 $0x1200;
	s6 =	sadd.s32 $0xF0, s7;
	[dreg:$0x6] =	wrdreg s5  }
0x20: {  	s22 =	simm.s32 $0x500;
	s2 =	sadd.s32 s17, s2;
	[dreg:$0x10] =	wrdreg s14  }
0x21: {  	s17 =	simm.s32 $0x1500;
	s9 =	sadd.s32 $0x1A00, s9;
	[dreg:$0x17] =	wrdreg s22  }
0x22: {  	s18 =	sshll.u32 s16, $0x7;
	s26 =	sshll.u32 s24, $0x7;
	[dreg:$0x1c] =	wrdreg s17  }
0x23: {  	s12 =	sshll.u32 s16, $0x4;
	s16 =	simm.s32 $0x1280;
	[dreg:$0x5] =	wrdreg s9  }
0x24: {  	s5 =	sadd.s32 $0x1E0, s7;
	s10 =	sadd.s32 s2, s10;
	[dreg:$0x12] =	wrdreg s16  }
0x25: {  	s11 =	sshll.u32 s1, $0x4;
	s17 =	simm.s32 $0x880;
	[smem:$0x7E6] =	sst s10  }
0x26: {  	s13 =	sshll.u32 s6, $0x4;
	s8 =	sadd.s32 s18, s3;
	[smem:$0x7F4] =	sst s17  }
0x27: {  	s14 =	sadd.s32 $0x190, s7;
	s9 =	sadd.s32 s26, s3;
	[smem:$0x7E3] =	sst s8  }
0x28: {  	s7 =	sadd.s32 $0x230, s7;
	s18 =	simm.s32 $0x1300;
	[smem:$0x7E5] =	sst s9  }
0x29: {  	s1 =	sshll.u32 s1, $0x7;
	s26 =	simm.s32 $0x600;
	[dreg:$0x14] =	wrdreg s18  }
0x2a: {  	s23 =	sshll.u32 s6, $0x7;
	s22 =	sadd.s32 s2, s11;
	[dreg:$0x1b] =	wrdreg s26  }
0x2b: {  	s15 =	sshll.u32 s14, $0x4;
	s10 =	simm.s32 $0x780;
	[smem:$0x7E7] =	sst s22  }
0x2c: {  	s16 =	sshll.u32 s5, $0x4;
	s11 =	simm.s32 $0x1680;
	[smem:$0x7EC] =	sst s10  }
0x2d: {  	s5 =	sshll.u32 s5, $0x7;
	s1 =	sadd.s32 s1, s3;
	[smem:$0x7EE] =	sst s11  }
0x2e: {  	s8 =	sshll.u32 s24, $0x4;
	s24 =	simm.s32 $0x580;
	[smem:$0x7F8] =	sst s1  }
0x2f: {  	s25 =	sshll.u32 s7, $0x7;
	s26 =	sadd.s32 s2, s13;
	[dreg:$0x19] =	wrdreg s24  }
0x30: {  	s17 =	simm.s32 $0xB00;
	s13 =	simm.s32 $0x800;
	[smem:$0x7E9] =	sst s26  }
0x31: {  	s18 =	sshll.u32 s7, $0x4;
	s22 =	sadd.s32 $0x11800, s20;
	[smem:$0x7F0] =	sst s13  }
0x32: {  	s1 =	sadd.s32 s23, s3;
	s7 =	simm.s32 $0x3;
	[smem:$0x7F7] =	sst s22  }
0x33: {  	s9 =	simm.s32 $0x1800;
	s24 =	sadd.s32 s2, s12;
	[smem:$0x7F9] =	sst s1  }
0x34: {  	s11 =	simm.s32 $0x980;
	s8 =	sadd.s32 s2, s8;
	[smem:$0x7E8] =	sst s24  }
0x35: {  	s23 =	simm.s32 $0x1B00;
	s12 =	sadd.s32 s2, s15;
	[smem:$0x7EB] =	sst s8  }
0x36: {  	s10 =	simm.s32 $0x0;
	s15 =	sadd.s32 s2, s16;
	[smem:$0x7ED] =	sst s12  }
0x37: {  	s16 =	simm.s32 $0x1700;
	s2 =	sadd.s32 s2, s18;
	[smem:$0x7EF] =	sst s15  }
0x38: {  	s18 =	sadd.s32 $0xC800, s20;
	s26 =	sadd.s32 s25, s3;
	[smem:$0x7F1] =	sst s2  }
0x39: {  	s13 =	simm.s32 $0xA00;
	s22 =	simm.s32 $0xC00;
	[smem:$0x7F2] =	sst s16  }
0x3a: {  	s25 =	simm.s32 $0x1C00;
	[smem:$0x7F3] =	sst s18;
	s8 =	sadd.s32 s5, s3  }
0x3b: {  	s24 =	sshll.u32 s14, $0x7;
	[smem:$0x7FB] =	sst s26;
	s26 =	simm.s32 $0x2000  }
0x3c: {  	s2 =	simm.s32 $0x7000;
	s5 =	simm.s32 $0x2;
	s12 =	simm.s32 $0x1880  }
0x3d: {  	s14 =	simm.s32 $0x1900;
	s15 =	simm.s32 $0xA80;
	s16 =	simm.s32 $0x1980  }
0x3e: {  	s18 =	simm.s32 $0x1A00;
	s1 =	sadd.s32 s24, s3;
	[smem:$0x7FD] =	sst s8  }
0x3f: {  	v0 =	vimm.f32 $0.0e+00;
	s24 =	simm.s32 $0x1B80;
	[smem:$0x7FA] =	sst s1;
	s1 =	simm.s32 $0x4800  }
.LBB2_1:
0x40: {  	[smem:$0x7E0] =	sst s10;
	s6 =	simm.s32 $0x70;
	s10 =	simm.s32 $0x3C0  }
.LBB2_2:
0x41: {  	p0 =	sne.s32 s10, $0x9FC0;
	[tilespmem:s6+$0x2000] =	vst v0  }
0x42: {  	[tilespmem:s6+$0x1F90] =	vst v0  }
0x43: {  	[tilespmem:s6+$0x1FA0] =	vst v0  }
.Ltmp0:
0x44: {  	[tilespmem:s6+$0x1FB0] =	vst v0;
	(pc) =	sbr.rel @p0 .LBB2_2-.Ltmp0, $4  }
0x45: {  	[tilespmem:s6+$0x1FC0] =	vst v0  }
0x46: {  	[tilespmem:s6+$0x1FD0] =	vst v0  }
0x47: {  	[tilespmem:s6+$0x1FE0] =	vst v0  }
0x48: {  	[tilespmem:s6+$0x1FF0] =	vst v0;
	s6 =	sshra.s32 s10, $0x2;
	s10 =	sadd.s32 $0x200, s10  }
0x49: {  	[tilespmem:s6+$0x2000] =	vst v0  }
0x4a: {  	[tilespmem:s6+$0x1F90] =	vst v0  }
0x4b: {  	[tilespmem:s6+$0x1FA0] =	vst v0  }
0x4c: {  	[tilespmem:s6+$0x1FB0] =	vst v0  }
0x4d: {  	[tilespmem:s6+$0x1FC0] =	vst v0  }
0x4e: {  	[tilespmem:s6+$0x1FD0] =	vst v0  }
0x4f: {  	[tilespmem:s6+$0x1FE0] =	vst v0  }
0x50: {  	[tilespmem:s6+$0x1FF0] =	vst v0  }
0x51: {  	[spmem:s20] =	stream.linear.scatter [tilespmem:s26], [sflag:$0x1], $0x2800, $0x38;
	[tilespmem:$0x1D800] =	vst v63  }
0x52: {  	s20 =	sld [smem:$0x7E2];
	_ =	sdelay $0x1  }
0x53: {  	s10 =	sld [smem:$0x7E3]  }
0x54: {  	[spmem:s20] =	stream.linear.scatter [tilespmem:s26], [sflag:$0x1], $0x2800, $0x38;
	[tilespmem:$0x1D800] =	vst v63  }
0x55: {  	s20 =	sld [smem:$0x7E4]  }
0x56: {  	[spmem:s10] =	stream.linear.scatter [tilespmem:s26], [sflag:$0x1], $0x2800, $0x38;
	[tilespmem:$0x1D800] =	vst v63  }
0x57: {  	s10 =	sld [smem:$0x7E5]  }
0x58: {  	[spmem:s20] =	stream.linear.scatter [tilespmem:s26], [sflag:$0x1], $0x2800, $0x38;
	[tilespmem:$0x1D800] =	vst v63  }
0x59: {  	s20 =	sld [smem:$0x7F3]  }
0x5a: {  	[spmem:s10] =	stream.linear.scatter [tilespmem:s26], [sflag:$0x1], $0x2800, $0x38;
	[tilespmem:$0x1D800] =	vst v63  }
0x5b: {  	_ = 	snop  }
0x5c: {  	[spmem:s20] =	stream.linear.scatter [tilespmem:s26], [sflag:$0x1], $0x2800, $0x38;
	[tilespmem:$0x1D800] =	vst v63  }
0x5d: {  	_ = 	snop  }
0x5e: {  	[spmem:s8] =	stream.linear.scatter [tilespmem:s26], [sflag:$0x1], $0x2800, $0x38;
	[tilespmem:$0x1D800] =	vst v63  }
0x5f: {  	s8 =	sld [smem:$0x7F7];
	_ =	sdelay $0x2  }
0x60: {  	[spmem:s8] =	stream.linear.scatter [tilespmem:s26], [sflag:$0x1], $0x2800, $0x38;
	[tilespmem:$0x1D800] =	vst v63  }
0x61: {  	_ =	swait.ge [sflag:s28], $0x2800  }
0x62: {  	[sflag:s28] =	ssyncset.done $0x0  }
0x63: {  	[sflag:s28] =	ssyncadd.s32 $0xFFFFD800  }
0x64: {  	_ =	swait.ge [sflag:s28], $0x2800  }
0x65: {  	[sflag:s28] =	ssyncset.done $0x0  }
0x66: {  	[sflag:s28] =	ssyncadd.s32 $0xFFFFD800  }
0x67: {  	_ =	swait.ge [sflag:s28], $0x2800  }
0x68: {  	[sflag:s28] =	ssyncset.done $0x0  }
0x69: {  	[sflag:s28] =	ssyncadd.s32 $0xFFFFD800  }
0x6a: {  	_ =	swait.ge [sflag:s28], $0x2800  }
0x6b: {  	[sflag:s28] =	ssyncset.done $0x0  }
0x6c: {  	[sflag:s28] =	ssyncadd.s32 $0xFFFFD800  }
0x6d: {  	_ =	swait.ge [sflag:s28], $0x2800  }
0x6e: {  	[sflag:s28] =	ssyncset.done $0x0  }
0x6f: {  	[sflag:s28] =	ssyncadd.s32 $0xFFFFD800  }
0x70: {  	_ =	swait.ge [sflag:s28], $0x2800  }
0x71: {  	[sflag:s28] =	ssyncset.done $0x0  }
0x72: {  	[sflag:s28] =	ssyncadd.s32 $0xFFFFD800  }
0x73: {  	_ =	swait.ge [sflag:s28], $0x2800  }
0x74: {  	[sflag:s28] =	ssyncset.done $0x0  }
0x75: {  	[sflag:s28] =	ssyncadd.s32 $0xFFFFD800  }
0x76: {  	_ =	swait.ge [sflag:s28], $0x2800  }
0x77: {  	[sflag:s28] =	ssyncset.done $0x0  }
0x78: {  	[sflag:s28] =	ssyncadd.s32 $0xFFFFD800  }
0x79: {  	[bflag:$0x0] =	sbarrier.arrive $0xFFFF  }
0x7a: {  	s10 =	rddreg [dreg:$0x6]  }
0x7b: {  	s6 =	sadd.s32 $0x0, s10  }
0x7c: {  	[tilespmem:s4], [sflag:$0x4] =	stream.linear.gather [hbm4b:s6+s4], $0xC80, $0x38;
	[tilespmem:$0x1D800] =	vst v63  }
0x7d: {  	_ =	swait.ge [sflag:s29], $0xC80  }
0x7e: {  	s20 =	rddreg [dreg:$0x5];
	[sflag:s29] =	ssyncset.done $0x0  }
0x7f: {  	[sflag:s29] =	ssyncadd.s32 $0xFFFFF380;
	s6 =	sadd.s32 $0x0, s20  }
0x80: {  	[tilespmem:s30], [sflag:$0x4] =	stream.linear.gather [hbm4b:s6+s4], $0xC80, $0x38;
	[tilespmem:$0x1D800] =	vst v63  }
0x81: {  	_ =	swait.ge [sflag:s29], $0xC80  }
0x82: {  	[sflag:s29] =	ssyncset.done $0x0  }
0x83: {  	[sflag:s29] =	ssyncadd.s32 $0xFFFFF380  }
0x84: {  	[tilespmem:s26], [sflag:$0x1] =	stream.indirect.gather [hbm4b:s0+s31], $0x80, s4, s31, $0xb8;
	[tilespmem:$0x1D800] =	vst v63  }
0x85: {  	s8 =	rddreg [dreg:$0x7]  }
0x86: {  	[tilespmem:s1], [sflag:$0x2] =	stream.indirect.gather [hbm4b:s0+s31], $0x80, s8, s31, $0xb8;
	[tilespmem:$0x1D800] =	vst v63  }
0x87: {  	s10 =	rddreg [dreg:$0x8]  }
0x88: {  	[tilespmem:s2], [sflag:$0x3] =	stream.indirect.gather [hbm4b:s0+s31], $0x80, s10, s31, $0xb8;
	[tilespmem:$0x1D800] =	vst v63  }
0x89: {  	_ =	swait.ge [sflag:s28], $0x2800  }
0x8a: {  	[sflag:s28] =	ssyncset.done $0x0  }
0x8b: {  	[sflag:s28] =	ssyncadd.s32 $0xFFFFD800  }
0x8c: {  	[spmem:s3] =	stream.indirect.scatter.add.f32 [tilespmem:s26], [sflag:$0x4], $0x80, s30, s31, $0xb8;
	[tilespmem:$0x1D800] =	vst v63  }
0x8d: {  	_ =	swait.ge [sflag:s29], $0x2800  }
0x8e: {  	[sflag:s29] =	ssyncset.done $0x0  }
0x8f: {  	s20 =	rddreg [dreg:$0x9];
	[sflag:s29] =	ssyncadd.s32 $0xFFFFD800  }
0x90: {  	[tilespmem:s26], [sflag:$0x1] =	stream.indirect.gather [hbm4b:s0+s31], $0x80, s20, s31, $0xb8;
	[tilespmem:$0x1D800] =	vst v63  }
0x91: {  	_ =	swait.ge [sflag:s5], $0x2800  }
0x92: {  	[sflag:s5] =	ssyncset.done $0x0  }
0x93: {  	s8 =	rddreg [dreg:$0xa];
	[sflag:s5] =	ssyncadd.s32 $0xFFFFD800  }
0x94: {  	[spmem:s3] =	stream.indirect.scatter.add.f32 [tilespmem:s1], [sflag:$0x4], $0x80, s8, s31, $0xb8;
	[tilespmem:$0x1D800] =	vst v63  }
0x95: {  	_ =	swait.ge [sflag:s29], $0x2800  }
0x96: {  	[sflag:s29] =	ssyncset.done $0x0  }
0x97: {  	s10 =	rddreg [dreg:$0xb];
	[sflag:s29] =	ssyncadd.s32 $0xFFFFD800  }
0x98: {  	[tilespmem:s1], [sflag:$0x2] =	stream.indirect.gather [hbm4b:s0+s31], $0x80, s10, s31, $0xb8;
	[tilespmem:$0x1D800] =	vst v63  }
0x99: {  	_ =	swait.ge [sflag:s7], $0x2800  }
0x9a: {  	[sflag:s7] =	ssyncset.done $0x0  }
0x9b: {  	s20 =	rddreg [dreg:$0xc];
	[sflag:s7] =	ssyncadd.s32 $0xFFFFD800  }
0x9c: {  	[spmem:s3] =	stream.indirect.scatter.add.f32 [tilespmem:s2], [sflag:$0x4], $0x80, s20, s31, $0xb8;
	[tilespmem:$0x1D800] =	vst v63  }
0x9d: {  	_ =	swait.ge [sflag:s29], $0x2800  }
0x9e: {  	[sflag:s29] =	ssyncset.done $0x0  }
0x9f: {  	s8 =	rddreg [dreg:$0xd];
	[sflag:s29] =	ssyncadd.s32 $0xFFFFD800  }
0xa0: {  	[tilespmem:s2], [sflag:$0x3] =	stream.indirect.gather [hbm4b:s0+s31], $0x80, s8, s31, $0xb8;
	[tilespmem:$0x1D800] =	vst v63  }
0xa1: {  	_ =	swait.ge [sflag:s28], $0x2800  }
0xa2: {  	[sflag:s28] =	ssyncset.done $0x0  }
0xa3: {  	s10 =	rddreg [dreg:$0xe];
	[sflag:s28] =	ssyncadd.s32 $0xFFFFD800  }
0xa4: {  	[spmem:s3] =	stream.indirect.scatter.add.f32 [tilespmem:s26], [sflag:$0x4], $0x80, s10, s31, $0xb8;
	[tilespmem:$0x1D800] =	vst v63  }
0xa5: {  	_ =	swait.ge [sflag:s29], $0x2800  }
0xa6: {  	[sflag:s29] =	ssyncset.done $0x0  }
0xa7: {  	s20 =	rddreg [dreg:$0xf];
	[sflag:s29] =	ssyncadd.s32 $0xFFFFD800  }
0xa8: {  	[tilespmem:s26], [sflag:$0x1] =	stream.indirect.gather [hbm4b:s0+s31], $0x80, s20, s31, $0xb8;
	[tilespmem:$0x1D800] =	vst v63  }
0xa9: {  	_ =	swait.ge [sflag:s5], $0x2800  }
0xaa: {  	[sflag:s5] =	ssyncset.done $0x0  }
0xab: {  	s8 =	rddreg [dreg:$0x10];
	[sflag:s5] =	ssyncadd.s32 $0xFFFFD800  }
0xac: {  	[spmem:s3] =	stream.indirect.scatter.add.f32 [tilespmem:s1], [sflag:$0x4], $0x80, s8, s31, $0xb8;
	[tilespmem:$0x1D800] =	vst v63  }
0xad: {  	_ =	swait.ge [sflag:s29], $0x2800  }
0xae: {  	[sflag:s29] =	ssyncset.done $0x0  }
0xaf: {  	s10 =	rddreg [dreg:$0x11];
	[sflag:s29] =	ssyncadd.s32 $0xFFFFD800  }
0xb0: {  	[tilespmem:s1], [sflag:$0x2] =	stream.indirect.gather [hbm4b:s0+s31], $0x80, s10, s31, $0xb8;
	[tilespmem:$0x1D800] =	vst v63  }
0xb1: {  	_ =	swait.ge [sflag:s7], $0x2800  }
0xb2: {  	[sflag:s7] =	ssyncset.done $0x0  }
0xb3: {  	s20 =	rddreg [dreg:$0x12];
	[sflag:s7] =	ssyncadd.s32 $0xFFFFD800  }
0xb4: {  	[spmem:s3] =	stream.indirect.scatter.add.f32 [tilespmem:s2], [sflag:$0x4], $0x80, s20, s31, $0xb8;
	[tilespmem:$0x1D800] =	vst v63  }
0xb5: {  	_ =	swait.ge [sflag:s29], $0x2800  }
0xb6: {  	[sflag:s29] =	ssyncset.done $0x0  }
0xb7: {  	s8 =	rddreg [dreg:$0x13];
	[sflag:s29] =	ssyncadd.s32 $0xFFFFD800  }
0xb8: {  	[tilespmem:s2], [sflag:$0x3] =	stream.indirect.gather [hbm4b:s0+s31], $0x80, s8, s31, $0xb8;
	[tilespmem:$0x1D800] =	vst v63  }
0xb9: {  	_ =	swait.ge [sflag:s28], $0x2800  }
0xba: {  	[sflag:s28] =	ssyncset.done $0x0  }
0xbb: {  	s10 =	rddreg [dreg:$0x14];
	[sflag:s28] =	ssyncadd.s32 $0xFFFFD800  }
0xbc: {  	[spmem:s3] =	stream.indirect.scatter.add.f32 [tilespmem:s26], [sflag:$0x4], $0x80, s10, s31, $0xb8;
	[tilespmem:$0x1D800] =	vst v63  }
0xbd: {  	_ =	swait.ge [sflag:s29], $0x2800  }
0xbe: {  	[sflag:s29] =	ssyncset.done $0x0  }
0xbf: {  	s20 =	rddreg [dreg:$0x15];
	[sflag:s29] =	ssyncadd.s32 $0xFFFFD800  }
0xc0: {  	[tilespmem:s26], [sflag:$0x1] =	stream.indirect.gather [hbm4b:s0+s31], $0x80, s20, s31, $0xb8;
	[tilespmem:$0x1D800] =	vst v63  }
0xc1: {  	_ =	swait.ge [sflag:s5], $0x2800  }
0xc2: {  	[sflag:s5] =	ssyncset.done $0x0  }
0xc3: {  	s8 =	rddreg [dreg:$0x16];
	[sflag:s5] =	ssyncadd.s32 $0xFFFFD800  }
0xc4: {  	[spmem:s3] =	stream.indirect.scatter.add.f32 [tilespmem:s1], [sflag:$0x4], $0x80, s8, s31, $0xb8;
	[tilespmem:$0x1D800] =	vst v63  }
0xc5: {  	_ =	swait.ge [sflag:s29], $0x2800  }
0xc6: {  	[sflag:s29] =	ssyncset.done $0x0  }
0xc7: {  	s10 =	rddreg [dreg:$0x17];
	[sflag:s29] =	ssyncadd.s32 $0xFFFFD800  }
0xc8: {  	[tilespmem:s1], [sflag:$0x2] =	stream.indirect.gather [hbm4b:s0+s31], $0x80, s10, s31, $0xb8;
	[tilespmem:$0x1D800] =	vst v63  }
0xc9: {  	_ =	swait.ge [sflag:s7], $0x2800  }
0xca: {  	[sflag:s7] =	ssyncset.done $0x0  }
0xcb: {  	s20 =	rddreg [dreg:$0x18];
	[sflag:s7] =	ssyncadd.s32 $0xFFFFD800  }
0xcc: {  	[spmem:s3] =	stream.indirect.scatter.add.f32 [tilespmem:s2], [sflag:$0x4], $0x80, s20, s31, $0xb8;
	[tilespmem:$0x1D800] =	vst v63  }
0xcd: {  	_ =	swait.ge [sflag:s29], $0x2800  }
0xce: {  	[sflag:s29] =	ssyncset.done $0x0  }
0xcf: {  	s8 =	rddreg [dreg:$0x19];
	[sflag:s29] =	ssyncadd.s32 $0xFFFFD800  }
0xd0: {  	[tilespmem:s2], [sflag:$0x3] =	stream.indirect.gather [hbm4b:s0+s31], $0x80, s8, s31, $0xb8;
	[tilespmem:$0x1D800] =	vst v63  }
0xd1: {  	_ =	swait.ge [sflag:s28], $0x2800  }
0xd2: {  	[sflag:s28] =	ssyncset.done $0x0  }
0xd3: {  	s10 =	rddreg [dreg:$0x1a];
	[sflag:s28] =	ssyncadd.s32 $0xFFFFD800  }
0xd4: {  	[spmem:s3] =	stream.indirect.scatter.add.f32 [tilespmem:s26], [sflag:$0x4], $0x80, s10, s31, $0xb8;
	[tilespmem:$0x1D800] =	vst v63  }
0xd5: {  	_ =	swait.ge [sflag:s29], $0x2800  }
0xd6: {  	[sflag:s29] =	ssyncset.done $0x0  }
0xd7: {  	s20 =	rddreg [dreg:$0x1b];
	[sflag:s29] =	ssyncadd.s32 $0xFFFFD800  }
0xd8: {  	[tilespmem:s26], [sflag:$0x1] =	stream.indirect.gather [hbm4b:s0+s31], $0x80, s20, s31, $0xb8;
	[tilespmem:$0x1D800] =	vst v63  }
0xd9: {  	_ =	swait.ge [sflag:s5], $0x2800  }
0xda: {  	[sflag:s5] =	ssyncset.done $0x0  }
0xdb: {  	s8 =	rddreg [dreg:$0x1c];
	[sflag:s5] =	ssyncadd.s32 $0xFFFFD800  }
0xdc: {  	[spmem:s3] =	stream.indirect.scatter.add.f32 [tilespmem:s1], [sflag:$0x4], $0x80, s8, s31, $0xb8;
	[tilespmem:$0x1D800] =	vst v63  }
0xdd: {  	_ =	swait.ge [sflag:s29], $0x2800  }
0xde: {  	[sflag:s29] =	ssyncset.done $0x0  }
0xdf: {  	s10 =	rddreg [dreg:$0x1d];
	[sflag:s29] =	ssyncadd.s32 $0xFFFFD800  }
0xe0: {  	[tilespmem:s1], [sflag:$0x2] =	stream.indirect.gather [hbm4b:s0+s31], $0x80, s10, s31, $0xb8;
	[tilespmem:$0x1D800] =	vst v63  }
0xe1: {  	_ =	swait.ge [sflag:s7], $0x2800  }
0xe2: {  	[sflag:s7] =	ssyncset.done $0x0  }
0xe3: {  	s20 =	rddreg [dreg:$0x1e];
	[sflag:s7] =	ssyncadd.s32 $0xFFFFD800  }
0xe4: {  	[spmem:s3] =	stream.indirect.scatter.add.f32 [tilespmem:s2], [sflag:$0x4], $0x80, s20, s31, $0xb8;
	[tilespmem:$0x1D800] =	vst v63  }
0xe5: {  	_ =	swait.ge [sflag:s29], $0x2800  }
0xe6: {  	[sflag:s29] =	ssyncset.done $0x0  }
0xe7: {  	s8 =	rddreg [dreg:$0x1f];
	[sflag:s29] =	ssyncadd.s32 $0xFFFFD800  }
0xe8: {  	[tilespmem:s2], [sflag:$0x3] =	stream.indirect.gather [hbm4b:s0+s31], $0x80, s8, s31, $0xb8;
	[tilespmem:$0x1D800] =	vst v63  }
0xe9: {  	_ =	swait.ge [sflag:s28], $0x2800  }
0xea: {  	s10 =	sld [smem:$0x7EA]  }
0xeb: {  	[sflag:s28] =	ssyncset.done $0x0  }
0xec: {  	[sflag:s28] =	ssyncadd.s32 $0xFFFFD800  }
0xed: {  	[spmem:s3] =	stream.indirect.scatter.add.f32 [tilespmem:s26], [sflag:$0x4], $0x80, s10, s31, $0xb8;
	[tilespmem:$0x1D800] =	vst v63  }
0xee: {  	_ =	swait.ge [sflag:s29], $0x2800  }
0xef: {  	s20 =	sld [smem:$0x7EC]  }
0xf0: {  	[sflag:s29] =	ssyncset.done $0x0  }
0xf1: {  	[sflag:s29] =	ssyncadd.s32 $0xFFFFD800  }
0xf2: {  	[tilespmem:s26], [sflag:$0x1] =	stream.indirect.gather [hbm4b:s0+s31], $0x80, s20, s31, $0xb8;
	[tilespmem:$0x1D800] =	vst v63  }
0xf3: {  	_ =	swait.ge [sflag:s5], $0x2800  }
0xf4: {  	s8 =	sld [smem:$0x7EE]  }
0xf5: {  	[sflag:s5] =	ssyncset.done $0x0  }
0xf6: {  	[sflag:s5] =	ssyncadd.s32 $0xFFFFD800  }
0xf7: {  	[spmem:s3] =	stream.indirect.scatter.add.f32 [tilespmem:s1], [sflag:$0x4], $0x80, s8, s31, $0xb8;
	[tilespmem:$0x1D800] =	vst v63  }
0xf8: {  	_ =	swait.ge [sflag:s29], $0x2800  }
0xf9: {  	s10 =	sld [smem:$0x7F0]  }
0xfa: {  	[sflag:s29] =	ssyncset.done $0x0  }
0xfb: {  	[sflag:s29] =	ssyncadd.s32 $0xFFFFD800  }
0xfc: {  	[tilespmem:s1], [sflag:$0x2] =	stream.indirect.gather [hbm4b:s0+s31], $0x80, s10, s31, $0xb8;
	[tilespmem:$0x1D800] =	vst v63  }
0xfd: {  	_ =	swait.ge [sflag:s7], $0x2800  }
0xfe: {  	s20 =	sld [smem:$0x7F2]  }
0xff: {  	[sflag:s7] =	ssyncset.done $0x0  }
0x100: {  	[sflag:s7] =	ssyncadd.s32 $0xFFFFD800  }
0x101: {  	[spmem:s3] =	stream.indirect.scatter.add.f32 [tilespmem:s2], [sflag:$0x4], $0x80, s20, s31, $0xb8;
	[tilespmem:$0x1D800] =	vst v63  }
0x102: {  	_ =	swait.ge [sflag:s29], $0x2800  }
0x103: {  	s8 =	sld [smem:$0x7F4]  }
0x104: {  	[sflag:s29] =	ssyncset.done $0x0  }
0x105: {  	[sflag:s29] =	ssyncadd.s32 $0xFFFFD800  }
0x106: {  	[tilespmem:s2], [sflag:$0x3] =	stream.indirect.gather [hbm4b:s0+s31], $0x80, s8, s31, $0xb8;
	[tilespmem:$0x1D800] =	vst v63  }
0x107: {  	_ =	swait.ge [sflag:s28], $0x2800  }
0x108: {  	s10 =	sld [smem:$0x7F5]  }
0x109: {  	[sflag:s28] =	ssyncset.done $0x0  }
0x10a: {  	[sflag:s28] =	ssyncadd.s32 $0xFFFFD800  }
0x10b: {  	[spmem:s3] =	stream.indirect.scatter.add.f32 [tilespmem:s26], [sflag:$0x4], $0x80, s10, s31, $0xb8;
	[tilespmem:$0x1D800] =	vst v63  }
0x10c: {  	_ =	swait.ge [sflag:s29], $0x2800  }
0x10d: {  	s20 =	sld [smem:$0x7F6]  }
0x10e: {  	[sflag:s29] =	ssyncset.done $0x0  }
0x10f: {  	[sflag:s29] =	ssyncadd.s32 $0xFFFFD800  }
0x110: {  	[tilespmem:s26], [sflag:$0x1] =	stream.indirect.gather [hbm4b:s0+s31], $0x80, s20, s31, $0xb8;
	[tilespmem:$0x1D800] =	vst v63  }
0x111: {  	_ =	swait.ge [sflag:s5], $0x2800  }
0x112: {  	[sflag:s5] =	ssyncset.done $0x0  }
0x113: {  	[sflag:s5] =	ssyncadd.s32 $0xFFFFD800  }
0x114: {  	[spmem:s3] =	stream.indirect.scatter.add.f32 [tilespmem:s1], [sflag:$0x4], $0x80, s9, s31, $0xb8;
	[tilespmem:$0x1D800] =	vst v63  }
0x115: {  	_ =	swait.ge [sflag:s29], $0x2800  }
0x116: {  	[sflag:s29] =	ssyncset.done $0x0  }
0x117: {  	[sflag:s29] =	ssyncadd.s32 $0xFFFFD800  }
0x118: {  	[tilespmem:s1], [sflag:$0x2] =	stream.indirect.gather [hbm4b:s0+s31], $0x80, s11, s31, $0xb8;
	[tilespmem:$0x1D800] =	vst v63  }
0x119: {  	_ =	swait.ge [sflag:s7], $0x2800  }
0x11a: {  	[sflag:s7] =	ssyncset.done $0x0  }
0x11b: {  	[sflag:s7] =	ssyncadd.s32 $0xFFFFD800  }
0x11c: {  	[spmem:s3] =	stream.indirect.scatter.add.f32 [tilespmem:s2], [sflag:$0x4], $0x80, s12, s31, $0xb8;
	[tilespmem:$0x1D800] =	vst v63  }
0x11d: {  	_ =	swait.ge [sflag:s29], $0x2800  }
0x11e: {  	[sflag:s29] =	ssyncset.done $0x0  }
0x11f: {  	[sflag:s29] =	ssyncadd.s32 $0xFFFFD800  }
0x120: {  	[tilespmem:s2], [sflag:$0x3] =	stream.indirect.gather [hbm4b:s0+s31], $0x80, s13, s31, $0xb8;
	[tilespmem:$0x1D800] =	vst v63  }
0x121: {  	_ =	swait.ge [sflag:s28], $0x2800  }
0x122: {  	[sflag:s28] =	ssyncset.done $0x0  }
0x123: {  	[sflag:s28] =	ssyncadd.s32 $0xFFFFD800  }
0x124: {  	[spmem:s3] =	stream.indirect.scatter.add.f32 [tilespmem:s26], [sflag:$0x4], $0x80, s14, s31, $0xb8;
	[tilespmem:$0x1D800] =	vst v63  }
0x125: {  	_ =	swait.ge [sflag:s29], $0x2800  }
0x126: {  	[sflag:s29] =	ssyncset.done $0x0  }
0x127: {  	[sflag:s29] =	ssyncadd.s32 $0xFFFFD800  }
0x128: {  	[tilespmem:s26], [sflag:$0x1] =	stream.indirect.gather [hbm4b:s0+s31], $0x80, s15, s31, $0xb8;
	[tilespmem:$0x1D800] =	vst v63  }
0x129: {  	_ =	swait.ge [sflag:s5], $0x2800  }
0x12a: {  	[sflag:s5] =	ssyncset.done $0x0  }
0x12b: {  	[sflag:s5] =	ssyncadd.s32 $0xFFFFD800  }
0x12c: {  	[spmem:s3] =	stream.indirect.scatter.add.f32 [tilespmem:s1], [sflag:$0x4], $0x80, s16, s31, $0xb8;
	[tilespmem:$0x1D800] =	vst v63  }
0x12d: {  	_ =	swait.ge [sflag:s29], $0x2800  }
0x12e: {  	[sflag:s29] =	ssyncset.done $0x0  }
0x12f: {  	[sflag:s29] =	ssyncadd.s32 $0xFFFFD800  }
0x130: {  	[tilespmem:s1], [sflag:$0x2] =	stream.indirect.gather [hbm4b:s0+s31], $0x80, s17, s31, $0xb8;
	[tilespmem:$0x1D800] =	vst v63  }
0x131: {  	_ =	swait.ge [sflag:s7], $0x2800  }
0x132: {  	[sflag:s7] =	ssyncset.done $0x0  }
0x133: {  	[sflag:s7] =	ssyncadd.s32 $0xFFFFD800  }
0x134: {  	[spmem:s3] =	stream.indirect.scatter.add.f32 [tilespmem:s2], [sflag:$0x4], $0x80, s18, s31, $0xb8;
	[tilespmem:$0x1D800] =	vst v63  }
0x135: {  	_ =	swait.ge [sflag:s29], $0x2800  }
0x136: {  	[sflag:s29] =	ssyncset.done $0x0  }
0x137: {  	[sflag:s29] =	ssyncadd.s32 $0xFFFFD800  }
0x138: {  	[tilespmem:s2], [sflag:$0x3] =	stream.indirect.gather [hbm4b:s0+s31], $0x80, s19, s31, $0xb8;
	[tilespmem:$0x1D800] =	vst v63  }
0x139: {  	_ =	swait.ge [sflag:s28], $0x2800  }
0x13a: {  	[sflag:s28] =	ssyncset.done $0x0  }
0x13b: {  	[sflag:s28] =	ssyncadd.s32 $0xFFFFD800  }
0x13c: {  	[spmem:s3] =	stream.indirect.scatter.add.f32 [tilespmem:s26], [sflag:$0x4], $0x80, s21, s31, $0xb8;
	[tilespmem:$0x1D800] =	vst v63  }
0x13d: {  	_ =	swait.ge [sflag:s29], $0x2800  }
0x13e: {  	[sflag:s29] =	ssyncset.done $0x0  }
0x13f: {  	[sflag:s29] =	ssyncadd.s32 $0xFFFFD800  }
0x140: {  	[tilespmem:s26], [sflag:$0x1] =	stream.indirect.gather [hbm4b:s0+s31], $0x80, s22, s31, $0xb8;
	[tilespmem:$0x1D800] =	vst v63  }
0x141: {  	_ =	swait.ge [sflag:s5], $0x2800  }
0x142: {  	[sflag:s5] =	ssyncset.done $0x0  }
0x143: {  	[sflag:s5] =	ssyncadd.s32 $0xFFFFD800  }
0x144: {  	[spmem:s3] =	stream.indirect.scatter.add.f32 [tilespmem:s1], [sflag:$0x4], $0x80, s23, s31, $0xb8;
	[tilespmem:$0x1D800] =	vst v63  }
0x145: {  	_ =	swait.ge [sflag:s29], $0x2800  }
0x146: {  	[sflag:s29] =	ssyncset.done $0x0  }
0x147: {  	[sflag:s29] =	ssyncadd.s32 $0xFFFFD800  }
0x148: {  	_ =	swait.ge [sflag:s7], $0x2800  }
0x149: {  	[sflag:s7] =	ssyncset.done $0x0  }
0x14a: {  	[sflag:s7] =	ssyncadd.s32 $0xFFFFD800  }
0x14b: {  	[spmem:s3] =	stream.indirect.scatter.add.f32 [tilespmem:s2], [sflag:$0x4], $0x80, s24, s31, $0xb8;
	[tilespmem:$0x1D800] =	vst v63  }
0x14c: {  	_ =	swait.ge [sflag:s29], $0x2800  }
0x14d: {  	[sflag:s29] =	ssyncset.done $0x0  }
0x14e: {  	[sflag:s29] =	ssyncadd.s32 $0xFFFFD800  }
0x14f: {  	_ =	swait.ge [sflag:s28], $0x2800  }
0x150: {  	[sflag:s28] =	ssyncset.done $0x0  }
0x151: {  	[sflag:s28] =	ssyncadd.s32 $0xFFFFD800  }
0x152: {  	[spmem:s3] =	stream.indirect.scatter.add.f32 [tilespmem:s26], [sflag:$0x4], $0x80, s25, s31, $0xb8;
	[tilespmem:$0x1D800] =	vst v63  }
0x153: {  	s6 =	simm.s32 $0x400;
	_ =	swait.ge [sflag:s29], $0x2800  }
0x154: {  	s10 =	simm.s32 $0x200;
	s20 =	rddreg [dreg:$0x6];
	[sflag:s29] =	ssyncset.done $0x0  }
.LBB2_4:
0x155: {  	[sflag:s29] =	ssyncadd.s32 $0xFFFFD800;
	s20 =	sadd.s32 s10, s20  }
0x156: {  	[tilespmem:s4], [sflag:$0x4] =	stream.linear.gather [hbm4b:s20+s4], $0xC80, $0x38;
	[tilespmem:$0x1D800] =	vst v63  }
0x157: {  	_ =	swait.ge [sflag:s29], $0xC80  }
0x158: {  	s20 =	rddreg [dreg:$0x5];
	[sflag:s29] =	ssyncset.done $0x0  }
0x159: {  	[sflag:s29] =	ssyncadd.s32 $0xFFFFF380;
	s20 =	sadd.s32 s10, s20  }
0x15a: {  	[tilespmem:s30], [sflag:$0x4] =	stream.linear.gather [hbm4b:s20+s4], $0xC80, $0x38;
	[tilespmem:$0x1D800] =	vst v63  }
0x15b: {  	_ =	swait.ge [sflag:s29], $0xC80  }
0x15c: {  	[sflag:s29] =	ssyncset.done $0x0  }
0x15d: {  	s8 =	smov.u32 s6;
	[sflag:s29] =	ssyncadd.s32 $0xFFFFF380  }
0x15e: {  	[tilespmem:s26], [sflag:$0x1] =	stream.indirect.gather [hbm4b:s0+s31], $0x80, s4, s31, $0xb8;
	[tilespmem:$0x1D800] =	vst v63  }
0x15f: {  	s10 =	smov.u32 s8;
	s8 =	rddreg [dreg:$0x7]  }
0x160: {  	[tilespmem:s1], [sflag:$0x2] =	stream.indirect.gather [hbm4b:s0+s31], $0x80, s8, s31, $0xb8;
	[tilespmem:$0x1D800] =	vst v63  }
0x161: {  	s20 =	rddreg [dreg:$0x8]  }
0x162: {  	[tilespmem:s2], [sflag:$0x3] =	stream.indirect.gather [hbm4b:s0+s31], $0x80, s20, s31, $0xb8;
	[tilespmem:$0x1D800] =	vst v63  }
0x163: {  	_ =	swait.ge [sflag:s28], $0x2800  }
0x164: {  	[sflag:s28] =	ssyncset.done $0x0  }
0x165: {  	[sflag:s28] =	ssyncadd.s32 $0xFFFFD800  }
0x166: {  	[spmem:s3] =	stream.indirect.scatter.add.f32 [tilespmem:s26], [sflag:$0x4], $0x80, s30, s31, $0xb8;
	[tilespmem:$0x1D800] =	vst v63  }
0x167: {  	_ =	swait.ge [sflag:s29], $0x2800  }
0x168: {  	[sflag:s29] =	ssyncset.done $0x0  }
0x169: {  	s20 =	rddreg [dreg:$0x9];
	[sflag:s29] =	ssyncadd.s32 $0xFFFFD800  }
0x16a: {  	[tilespmem:s26], [sflag:$0x1] =	stream.indirect.gather [hbm4b:s0+s31], $0x80, s20, s31, $0xb8;
	[tilespmem:$0x1D800] =	vst v63  }
0x16b: {  	_ =	swait.ge [sflag:s5], $0x2800  }
0x16c: {  	[sflag:s5] =	ssyncset.done $0x0  }
0x16d: {  	s20 =	rddreg [dreg:$0xa];
	[sflag:s5] =	ssyncadd.s32 $0xFFFFD800  }
0x16e: {  	[spmem:s3] =	stream.indirect.scatter.add.f32 [tilespmem:s1], [sflag:$0x4], $0x80, s20, s31, $0xb8;
	[tilespmem:$0x1D800] =	vst v63  }
0x16f: {  	_ =	swait.ge [sflag:s29], $0x2800  }
0x170: {  	[sflag:s29] =	ssyncset.done $0x0  }
0x171: {  	s20 =	rddreg [dreg:$0xb];
	[sflag:s29] =	ssyncadd.s32 $0xFFFFD800  }
0x172: {  	[tilespmem:s1], [sflag:$0x2] =	stream.indirect.gather [hbm4b:s0+s31], $0x80, s20, s31, $0xb8;
	[tilespmem:$0x1D800] =	vst v63  }
0x173: {  	_ =	swait.ge [sflag:s7], $0x2800  }
0x174: {  	[sflag:s7] =	ssyncset.done $0x0  }
0x175: {  	s20 =	rddreg [dreg:$0xc];
	[sflag:s7] =	ssyncadd.s32 $0xFFFFD800  }
0x176: {  	[spmem:s3] =	stream.indirect.scatter.add.f32 [tilespmem:s2], [sflag:$0x4], $0x80, s20, s31, $0xb8;
	[tilespmem:$0x1D800] =	vst v63  }
0x177: {  	_ =	swait.ge [sflag:s29], $0x2800  }
0x178: {  	[sflag:s29] =	ssyncset.done $0x0  }
0x179: {  	s20 =	rddreg [dreg:$0xd];
	[sflag:s29] =	ssyncadd.s32 $0xFFFFD800  }
0x17a: {  	[tilespmem:s2], [sflag:$0x3] =	stream.indirect.gather [hbm4b:s0+s31], $0x80, s20, s31, $0xb8;
	[tilespmem:$0x1D800] =	vst v63  }
0x17b: {  	_ =	swait.ge [sflag:s28], $0x2800  }
0x17c: {  	[sflag:s28] =	ssyncset.done $0x0  }
0x17d: {  	s20 =	rddreg [dreg:$0xe];
	[sflag:s28] =	ssyncadd.s32 $0xFFFFD800  }
0x17e: {  	[spmem:s3] =	stream.indirect.scatter.add.f32 [tilespmem:s26], [sflag:$0x4], $0x80, s20, s31, $0xb8;
	[tilespmem:$0x1D800] =	vst v63  }
0x17f: {  	_ =	swait.ge [sflag:s29], $0x2800  }
0x180: {  	[sflag:s29] =	ssyncset.done $0x0  }
0x181: {  	s20 =	rddreg [dreg:$0xf];
	[sflag:s29] =	ssyncadd.s32 $0xFFFFD800  }
0x182: {  	[tilespmem:s26], [sflag:$0x1] =	stream.indirect.gather [hbm4b:s0+s31], $0x80, s20, s31, $0xb8;
	[tilespmem:$0x1D800] =	vst v63  }
0x183: {  	_ =	swait.ge [sflag:s5], $0x2800  }
0x184: {  	[sflag:s5] =	ssyncset.done $0x0  }
0x185: {  	s20 =	rddreg [dreg:$0x10];
	[sflag:s5] =	ssyncadd.s32 $0xFFFFD800  }
0x186: {  	[spmem:s3] =	stream.indirect.scatter.add.f32 [tilespmem:s1], [sflag:$0x4], $0x80, s20, s31, $0xb8;
	[tilespmem:$0x1D800] =	vst v63  }
0x187: {  	_ =	swait.ge [sflag:s29], $0x2800  }
0x188: {  	[sflag:s29] =	ssyncset.done $0x0  }
0x189: {  	s20 =	rddreg [dreg:$0x11];
	[sflag:s29] =	ssyncadd.s32 $0xFFFFD800  }
0x18a: {  	[tilespmem:s1], [sflag:$0x2] =	stream.indirect.gather [hbm4b:s0+s31], $0x80, s20, s31, $0xb8;
	[tilespmem:$0x1D800] =	vst v63  }
0x18b: {  	_ =	swait.ge [sflag:s7], $0x2800  }
0x18c: {  	[sflag:s7] =	ssyncset.done $0x0  }
0x18d: {  	s20 =	rddreg [dreg:$0x12];
	[sflag:s7] =	ssyncadd.s32 $0xFFFFD800  }
0x18e: {  	[spmem:s3] =	stream.indirect.scatter.add.f32 [tilespmem:s2], [sflag:$0x4], $0x80, s20, s31, $0xb8;
	[tilespmem:$0x1D800] =	vst v63  }
0x18f: {  	_ =	swait.ge [sflag:s29], $0x2800  }
0x190: {  	[sflag:s29] =	ssyncset.done $0x0  }
0x191: {  	s20 =	rddreg [dreg:$0x13];
	[sflag:s29] =	ssyncadd.s32 $0xFFFFD800  }
0x192: {  	[tilespmem:s2], [sflag:$0x3] =	stream.indirect.gather [hbm4b:s0+s31], $0x80, s20, s31, $0xb8;
	[tilespmem:$0x1D800] =	vst v63  }
0x193: {  	_ =	swait.ge [sflag:s28], $0x2800  }
0x194: {  	[sflag:s28] =	ssyncset.done $0x0  }
0x195: {  	s20 =	rddreg [dreg:$0x14];
	[sflag:s28] =	ssyncadd.s32 $0xFFFFD800  }
0x196: {  	[spmem:s3] =	stream.indirect.scatter.add.f32 [tilespmem:s26], [sflag:$0x4], $0x80, s20, s31, $0xb8;
	[tilespmem:$0x1D800] =	vst v63  }
0x197: {  	_ =	swait.ge [sflag:s29], $0x2800  }
0x198: {  	[sflag:s29] =	ssyncset.done $0x0  }
0x199: {  	s20 =	rddreg [dreg:$0x15];
	[sflag:s29] =	ssyncadd.s32 $0xFFFFD800  }
0x19a: {  	[tilespmem:s26], [sflag:$0x1] =	stream.indirect.gather [hbm4b:s0+s31], $0x80, s20, s31, $0xb8;
	[tilespmem:$0x1D800] =	vst v63  }
0x19b: {  	_ =	swait.ge [sflag:s5], $0x2800  }
0x19c: {  	[sflag:s5] =	ssyncset.done $0x0  }
0x19d: {  	s20 =	rddreg [dreg:$0x16];
	[sflag:s5] =	ssyncadd.s32 $0xFFFFD800  }
0x19e: {  	[spmem:s3] =	stream.indirect.scatter.add.f32 [tilespmem:s1], [sflag:$0x4], $0x80, s20, s31, $0xb8;
	[tilespmem:$0x1D800] =	vst v63  }
0x19f: {  	_ =	swait.ge [sflag:s29], $0x2800  }
0x1a0: {  	[sflag:s29] =	ssyncset.done $0x0  }
0x1a1: {  	s20 =	rddreg [dreg:$0x17];
	[sflag:s29] =	ssyncadd.s32 $0xFFFFD800  }
0x1a2: {  	[tilespmem:s1], [sflag:$0x2] =	stream.indirect.gather [hbm4b:s0+s31], $0x80, s20, s31, $0xb8;
	[tilespmem:$0x1D800] =	vst v63  }
0x1a3: {  	_ =	swait.ge [sflag:s7], $0x2800  }
0x1a4: {  	[sflag:s7] =	ssyncset.done $0x0  }
0x1a5: {  	s20 =	rddreg [dreg:$0x18];
	[sflag:s7] =	ssyncadd.s32 $0xFFFFD800  }
0x1a6: {  	[spmem:s3] =	stream.indirect.scatter.add.f32 [tilespmem:s2], [sflag:$0x4], $0x80, s20, s31, $0xb8;
	[tilespmem:$0x1D800] =	vst v63  }
0x1a7: {  	_ =	swait.ge [sflag:s29], $0x2800  }
0x1a8: {  	[sflag:s29] =	ssyncset.done $0x0  }
0x1a9: {  	s20 =	rddreg [dreg:$0x19];
	[sflag:s29] =	ssyncadd.s32 $0xFFFFD800  }
0x1aa: {  	[tilespmem:s2], [sflag:$0x3] =	stream.indirect.gather [hbm4b:s0+s31], $0x80, s20, s31, $0xb8;
	[tilespmem:$0x1D800] =	vst v63  }
0x1ab: {  	_ =	swait.ge [sflag:s28], $0x2800  }
0x1ac: {  	[sflag:s28] =	ssyncset.done $0x0  }
0x1ad: {  	s20 =	rddreg [dreg:$0x1a];
	[sflag:s28] =	ssyncadd.s32 $0xFFFFD800  }
0x1ae: {  	[spmem:s3] =	stream.indirect.scatter.add.f32 [tilespmem:s26], [sflag:$0x4], $0x80, s20, s31, $0xb8;
	[tilespmem:$0x1D800] =	vst v63  }
0x1af: {  	_ =	swait.ge [sflag:s29], $0x2800  }
0x1b0: {  	[sflag:s29] =	ssyncset.done $0x0  }
0x1b1: {  	s20 =	rddreg [dreg:$0x1b];
	[sflag:s29] =	ssyncadd.s32 $0xFFFFD800  }
0x1b2: {  	[tilespmem:s26], [sflag:$0x1] =	stream.indirect.gather [hbm4b:s0+s31], $0x80, s20, s31, $0xb8;
	[tilespmem:$0x1D800] =	vst v63  }
0x1b3: {  	_ =	swait.ge [sflag:s5], $0x2800  }
0x1b4: {  	[sflag:s5] =	ssyncset.done $0x0  }
0x1b5: {  	s20 =	rddreg [dreg:$0x1c];
	[sflag:s5] =	ssyncadd.s32 $0xFFFFD800  }
0x1b6: {  	[spmem:s3] =	stream.indirect.scatter.add.f32 [tilespmem:s1], [sflag:$0x4], $0x80, s20, s31, $0xb8;
	[tilespmem:$0x1D800] =	vst v63  }
0x1b7: {  	_ =	swait.ge [sflag:s29], $0x2800  }
0x1b8: {  	[sflag:s29] =	ssyncset.done $0x0  }
0x1b9: {  	s20 =	rddreg [dreg:$0x1d];
	[sflag:s29] =	ssyncadd.s32 $0xFFFFD800  }
0x1ba: {  	[tilespmem:s1], [sflag:$0x2] =	stream.indirect.gather [hbm4b:s0+s31], $0x80, s20, s31, $0xb8;
	[tilespmem:$0x1D800] =	vst v63  }
0x1bb: {  	_ =	swait.ge [sflag:s7], $0x2800  }
0x1bc: {  	[sflag:s7] =	ssyncset.done $0x0  }
0x1bd: {  	s20 =	rddreg [dreg:$0x1e];
	[sflag:s7] =	ssyncadd.s32 $0xFFFFD800  }
0x1be: {  	[spmem:s3] =	stream.indirect.scatter.add.f32 [tilespmem:s2], [sflag:$0x4], $0x80, s20, s31, $0xb8;
	[tilespmem:$0x1D800] =	vst v63  }
0x1bf: {  	_ =	swait.ge [sflag:s29], $0x2800  }
0x1c0: {  	[sflag:s29] =	ssyncset.done $0x0  }
0x1c1: {  	s20 =	rddreg [dreg:$0x1f];
	[sflag:s29] =	ssyncadd.s32 $0xFFFFD800  }
0x1c2: {  	[tilespmem:s2], [sflag:$0x3] =	stream.indirect.gather [hbm4b:s0+s31], $0x80, s20, s31, $0xb8;
	[tilespmem:$0x1D800] =	vst v63  }
0x1c3: {  	_ =	swait.ge [sflag:s28], $0x2800  }
0x1c4: {  	s20 =	sld [smem:$0x7EA]  }
0x1c5: {  	[sflag:s28] =	ssyncset.done $0x0  }
0x1c6: {  	[sflag:s28] =	ssyncadd.s32 $0xFFFFD800  }
0x1c7: {  	[spmem:s3] =	stream.indirect.scatter.add.f32 [tilespmem:s26], [sflag:$0x4], $0x80, s20, s31, $0xb8;
	[tilespmem:$0x1D800] =	vst v63  }
0x1c8: {  	_ =	swait.ge [sflag:s29], $0x2800  }
0x1c9: {  	s20 =	sld [smem:$0x7EC]  }
0x1ca: {  	[sflag:s29] =	ssyncset.done $0x0  }
0x1cb: {  	[sflag:s29] =	ssyncadd.s32 $0xFFFFD800  }
0x1cc: {  	[tilespmem:s26], [sflag:$0x1] =	stream.indirect.gather [hbm4b:s0+s31], $0x80, s20, s31, $0xb8;
	[tilespmem:$0x1D800] =	vst v63  }
0x1cd: {  	_ =	swait.ge [sflag:s5], $0x2800  }
0x1ce: {  	s20 =	sld [smem:$0x7EE]  }
0x1cf: {  	[sflag:s5] =	ssyncset.done $0x0  }
0x1d0: {  	[sflag:s5] =	ssyncadd.s32 $0xFFFFD800  }
0x1d1: {  	[spmem:s3] =	stream.indirect.scatter.add.f32 [tilespmem:s1], [sflag:$0x4], $0x80, s20, s31, $0xb8;
	[tilespmem:$0x1D800] =	vst v63  }
0x1d2: {  	_ =	swait.ge [sflag:s29], $0x2800  }
0x1d3: {  	s20 =	sld [smem:$0x7F0]  }
0x1d4: {  	[sflag:s29] =	ssyncset.done $0x0  }
0x1d5: {  	[sflag:s29] =	ssyncadd.s32 $0xFFFFD800  }
0x1d6: {  	[tilespmem:s1], [sflag:$0x2] =	stream.indirect.gather [hbm4b:s0+s31], $0x80, s20, s31, $0xb8;
	[tilespmem:$0x1D800] =	vst v63  }
0x1d7: {  	_ =	swait.ge [sflag:s7], $0x2800  }
0x1d8: {  	s20 =	sld [smem:$0x7F2]  }
0x1d9: {  	[sflag:s7] =	ssyncset.done $0x0  }
0x1da: {  	[sflag:s7] =	ssyncadd.s32 $0xFFFFD800  }
0x1db: {  	[spmem:s3] =	stream.indirect.scatter.add.f32 [tilespmem:s2], [sflag:$0x4], $0x80, s20, s31, $0xb8;
	[tilespmem:$0x1D800] =	vst v63  }
0x1dc: {  	_ =	swait.ge [sflag:s29], $0x2800  }
0x1dd: {  	s20 =	sld [smem:$0x7F4]  }
0x1de: {  	[sflag:s29] =	ssyncset.done $0x0  }
0x1df: {  	[sflag:s29] =	ssyncadd.s32 $0xFFFFD800  }
0x1e0: {  	[tilespmem:s2], [sflag:$0x3] =	stream.indirect.gather [hbm4b:s0+s31], $0x80, s20, s31, $0xb8;
	[tilespmem:$0x1D800] =	vst v63  }
0x1e1: {  	_ =	swait.ge [sflag:s28], $0x2800  }
0x1e2: {  	s20 =	sld [smem:$0x7F5]  }
0x1e3: {  	[sflag:s28] =	ssyncset.done $0x0  }
0x1e4: {  	[sflag:s28] =	ssyncadd.s32 $0xFFFFD800  }
0x1e5: {  	[spmem:s3] =	stream.indirect.scatter.add.f32 [tilespmem:s26], [sflag:$0x4], $0x80, s20, s31, $0xb8;
	[tilespmem:$0x1D800] =	vst v63  }
0x1e6: {  	_ =	swait.ge [sflag:s29], $0x2800  }
0x1e7: {  	s20 =	sld [smem:$0x7F6]  }
0x1e8: {  	[sflag:s29] =	ssyncset.done $0x0  }
0x1e9: {  	[sflag:s29] =	ssyncadd.s32 $0xFFFFD800  }
0x1ea: {  	[tilespmem:s26], [sflag:$0x1] =	stream.indirect.gather [hbm4b:s0+s31], $0x80, s20, s31, $0xb8;
	[tilespmem:$0x1D800] =	vst v63  }
0x1eb: {  	_ =	swait.ge [sflag:s5], $0x2800  }
0x1ec: {  	[sflag:s5] =	ssyncset.done $0x0  }
0x1ed: {  	[sflag:s5] =	ssyncadd.s32 $0xFFFFD800  }
0x1ee: {  	[spmem:s3] =	stream.indirect.scatter.add.f32 [tilespmem:s1], [sflag:$0x4], $0x80, s9, s31, $0xb8;
	[tilespmem:$0x1D800] =	vst v63  }
0x1ef: {  	_ =	swait.ge [sflag:s29], $0x2800  }
0x1f0: {  	[sflag:s29] =	ssyncset.done $0x0  }
0x1f1: {  	[sflag:s29] =	ssyncadd.s32 $0xFFFFD800  }
0x1f2: {  	[tilespmem:s1], [sflag:$0x2] =	stream.indirect.gather [hbm4b:s0+s31], $0x80, s11, s31, $0xb8;
	[tilespmem:$0x1D800] =	vst v63  }
0x1f3: {  	_ =	swait.ge [sflag:s7], $0x2800  }
0x1f4: {  	[sflag:s7] =	ssyncset.done $0x0  }
0x1f5: {  	[sflag:s7] =	ssyncadd.s32 $0xFFFFD800  }
0x1f6: {  	[spmem:s3] =	stream.indirect.scatter.add.f32 [tilespmem:s2], [sflag:$0x4], $0x80, s12, s31, $0xb8;
	[tilespmem:$0x1D800] =	vst v63  }
0x1f7: {  	_ =	swait.ge [sflag:s29], $0x2800  }
0x1f8: {  	[sflag:s29] =	ssyncset.done $0x0  }
0x1f9: {  	[sflag:s29] =	ssyncadd.s32 $0xFFFFD800  }
0x1fa: {  	[tilespmem:s2], [sflag:$0x3] =	stream.indirect.gather [hbm4b:s0+s31], $0x80, s13, s31, $0xb8;
	[tilespmem:$0x1D800] =	vst v63  }
0x1fb: {  	_ =	swait.ge [sflag:s28], $0x2800  }
0x1fc: {  	[sflag:s28] =	ssyncset.done $0x0  }
0x1fd: {  	[sflag:s28] =	ssyncadd.s32 $0xFFFFD800  }
0x1fe: {  	[spmem:s3] =	stream.indirect.scatter.add.f32 [tilespmem:s26], [sflag:$0x4], $0x80, s14, s31, $0xb8;
	[tilespmem:$0x1D800] =	vst v63  }
0x1ff: {  	_ =	swait.ge [sflag:s29], $0x2800  }
0x200: {  	[sflag:s29] =	ssyncset.done $0x0  }
0x201: {  	[sflag:s29] =	ssyncadd.s32 $0xFFFFD800  }
0x202: {  	[tilespmem:s26], [sflag:$0x1] =	stream.indirect.gather [hbm4b:s0+s31], $0x80, s15, s31, $0xb8;
	[tilespmem:$0x1D800] =	vst v63  }
0x203: {  	_ =	swait.ge [sflag:s5], $0x2800  }
0x204: {  	[sflag:s5] =	ssyncset.done $0x0  }
0x205: {  	[sflag:s5] =	ssyncadd.s32 $0xFFFFD800  }
0x206: {  	[spmem:s3] =	stream.indirect.scatter.add.f32 [tilespmem:s1], [sflag:$0x4], $0x80, s16, s31, $0xb8;
	[tilespmem:$0x1D800] =	vst v63  }
0x207: {  	_ =	swait.ge [sflag:s29], $0x2800  }
0x208: {  	[sflag:s29] =	ssyncset.done $0x0  }
0x209: {  	[sflag:s29] =	ssyncadd.s32 $0xFFFFD800  }
0x20a: {  	[tilespmem:s1], [sflag:$0x2] =	stream.indirect.gather [hbm4b:s0+s31], $0x80, s17, s31, $0xb8;
	[tilespmem:$0x1D800] =	vst v63  }
0x20b: {  	_ =	swait.ge [sflag:s7], $0x2800  }
0x20c: {  	[sflag:s7] =	ssyncset.done $0x0  }
0x20d: {  	[sflag:s7] =	ssyncadd.s32 $0xFFFFD800  }
0x20e: {  	[spmem:s3] =	stream.indirect.scatter.add.f32 [tilespmem:s2], [sflag:$0x4], $0x80, s18, s31, $0xb8;
	[tilespmem:$0x1D800] =	vst v63  }
0x20f: {  	_ =	swait.ge [sflag:s29], $0x2800  }
0x210: {  	[sflag:s29] =	ssyncset.done $0x0  }
0x211: {  	[sflag:s29] =	ssyncadd.s32 $0xFFFFD800  }
0x212: {  	[tilespmem:s2], [sflag:$0x3] =	stream.indirect.gather [hbm4b:s0+s31], $0x80, s19, s31, $0xb8;
	[tilespmem:$0x1D800] =	vst v63  }
0x213: {  	_ =	swait.ge [sflag:s28], $0x2800  }
0x214: {  	[sflag:s28] =	ssyncset.done $0x0  }
0x215: {  	[sflag:s28] =	ssyncadd.s32 $0xFFFFD800  }
0x216: {  	[spmem:s3] =	stream.indirect.scatter.add.f32 [tilespmem:s26], [sflag:$0x4], $0x80, s21, s31, $0xb8;
	[tilespmem:$0x1D800] =	vst v63  }
0x217: {  	_ =	swait.ge [sflag:s29], $0x2800  }
0x218: {  	[sflag:s29] =	ssyncset.done $0x0  }
0x219: {  	[sflag:s29] =	ssyncadd.s32 $0xFFFFD800  }
0x21a: {  	[tilespmem:s26], [sflag:$0x1] =	stream.indirect.gather [hbm4b:s0+s31], $0x80, s22, s31, $0xb8;
	[tilespmem:$0x1D800] =	vst v63  }
0x21b: {  	_ =	swait.ge [sflag:s5], $0x2800  }
0x21c: {  	[sflag:s5] =	ssyncset.done $0x0  }
0x21d: {  	[sflag:s5] =	ssyncadd.s32 $0xFFFFD800  }
0x21e: {  	[spmem:s3] =	stream.indirect.scatter.add.f32 [tilespmem:s1], [sflag:$0x4], $0x80, s23, s31, $0xb8;
	[tilespmem:$0x1D800] =	vst v63  }
0x21f: {  	_ =	swait.ge [sflag:s29], $0x2800  }
0x220: {  	[sflag:s29] =	ssyncset.done $0x0  }
0x221: {  	[sflag:s29] =	ssyncadd.s32 $0xFFFFD800  }
0x222: {  	_ =	swait.ge [sflag:s7], $0x2800  }
0x223: {  	[sflag:s7] =	ssyncset.done $0x0  }
0x224: {  	[sflag:s7] =	ssyncadd.s32 $0xFFFFD800  }
0x225: {  	[spmem:s3] =	stream.indirect.scatter.add.f32 [tilespmem:s2], [sflag:$0x4], $0x80, s24, s31, $0xb8;
	[tilespmem:$0x1D800] =	vst v63  }
0x226: {  	_ =	swait.ge [sflag:s29], $0x2800  }
0x227: {  	[sflag:s29] =	ssyncset.done $0x0  }
0x228: {  	[sflag:s29] =	ssyncadd.s32 $0xFFFFD800  }
0x229: {  	p0 =	sne.s32 s6, $0x800;
	_ =	swait.ge [sflag:s28], $0x2800  }
.Ltmp1:
0x22a: {  	[sflag:s28] =	ssyncset.done $0x0;
	(pc) =	sbr.rel @p0 .LBB2_4-.Ltmp1, $4  }
0x22b: {  	[sflag:s28] =	ssyncadd.s32 $0xFFFFD800  }
0x22c: {  	[spmem:s3] =	stream.indirect.scatter.add.f32 [tilespmem:s26], [sflag:$0x4], $0x80, s25, s31, $0xb8;
	[tilespmem:$0x1D800] =	vst v63  }
0x22d: {  	_ =	swait.ge [sflag:s29], $0x2800  }
0x22e: {  	s6 =	sadd.s32 $0x200, s6;
	s20 =	rddreg [dreg:$0x6];
	[sflag:s29] =	ssyncset.done $0x0  }
0x22f: {  	[sflag:s29] =	ssyncadd.s32 $0xFFFFD800;
	s6 =	sadd.s32 s10, s20  }
0x230: {  	[tilespmem:s4], [sflag:$0x4] =	stream.linear.gather [hbm4b:s6+s4], $0xC80, $0x38;
	[tilespmem:$0x1D800] =	vst v63  }
0x231: {  	_ =	swait.ge [sflag:s29], $0xC80  }
0x232: {  	s8 =	rddreg [dreg:$0x5];
	[sflag:s29] =	ssyncset.done $0x0  }
0x233: {  	[sflag:s29] =	ssyncadd.s32 $0xFFFFF380;
	s6 =	sadd.s32 s10, s8  }
0x234: {  	[tilespmem:s30], [sflag:$0x4] =	stream.linear.gather [hbm4b:s6+s4], $0xC80, $0x38;
	[tilespmem:$0x1D800] =	vst v63  }
0x235: {  	_ =	swait.ge [sflag:s29], $0xC80  }
0x236: {  	[sflag:s29] =	ssyncset.done $0x0  }
0x237: {  	[sflag:s29] =	ssyncadd.s32 $0xFFFFF380  }
0x238: {  	[tilespmem:s26], [sflag:$0x1] =	stream.indirect.gather [hbm4b:s0+s31], $0x80, s4, s31, $0xb8;
	[tilespmem:$0x1D800] =	vst v63  }
0x239: {  	s10 =	rddreg [dreg:$0x7]  }
0x23a: {  	[tilespmem:s1], [sflag:$0x2] =	stream.indirect.gather [hbm4b:s0+s31], $0x80, s10, s31, $0xb8;
	[tilespmem:$0x1D800] =	vst v63  }
0x23b: {  	s8 =	rddreg [dreg:$0x8]  }
0x23c: {  	[tilespmem:s2], [sflag:$0x3] =	stream.indirect.gather [hbm4b:s0+s31], $0x80, s8, s31, $0xb8;
	[tilespmem:$0x1D800] =	vst v63  }
0x23d: {  	_ =	swait.ge [sflag:s28], $0x2800  }
0x23e: {  	[sflag:s28] =	ssyncset.done $0x0  }
0x23f: {  	[sflag:s28] =	ssyncadd.s32 $0xFFFFD800  }
0x240: {  	[spmem:s3] =	stream.indirect.scatter.add.f32 [tilespmem:s26], [sflag:$0x4], $0x80, s30, s31, $0xb8;
	[tilespmem:$0x1D800] =	vst v63  }
0x241: {  	_ =	swait.ge [sflag:s29], $0x2800  }
0x242: {  	[sflag:s29] =	ssyncset.done $0x0  }
0x243: {  	s20 =	rddreg [dreg:$0x9];
	[sflag:s29] =	ssyncadd.s32 $0xFFFFD800  }
0x244: {  	[tilespmem:s26], [sflag:$0x1] =	stream.indirect.gather [hbm4b:s0+s31], $0x80, s20, s31, $0xb8;
	[tilespmem:$0x1D800] =	vst v63  }
0x245: {  	_ =	swait.ge [sflag:s5], $0x2800  }
0x246: {  	[sflag:s5] =	ssyncset.done $0x0  }
0x247: {  	s8 =	rddreg [dreg:$0xa];
	[sflag:s5] =	ssyncadd.s32 $0xFFFFD800  }
0x248: {  	[spmem:s3] =	stream.indirect.scatter.add.f32 [tilespmem:s1], [sflag:$0x4], $0x80, s8, s31, $0xb8;
	[tilespmem:$0x1D800] =	vst v63  }
0x249: {  	_ =	swait.ge [sflag:s29], $0x2800  }
0x24a: {  	[sflag:s29] =	ssyncset.done $0x0  }
0x24b: {  	s10 =	rddreg [dreg:$0xb];
	[sflag:s29] =	ssyncadd.s32 $0xFFFFD800  }
0x24c: {  	[tilespmem:s1], [sflag:$0x2] =	stream.indirect.gather [hbm4b:s0+s31], $0x80, s10, s31, $0xb8;
	[tilespmem:$0x1D800] =	vst v63  }
0x24d: {  	_ =	swait.ge [sflag:s7], $0x2800  }
0x24e: {  	[sflag:s7] =	ssyncset.done $0x0  }
0x24f: {  	s20 =	rddreg [dreg:$0xc];
	[sflag:s7] =	ssyncadd.s32 $0xFFFFD800  }
0x250: {  	[spmem:s3] =	stream.indirect.scatter.add.f32 [tilespmem:s2], [sflag:$0x4], $0x80, s20, s31, $0xb8;
	[tilespmem:$0x1D800] =	vst v63  }
0x251: {  	_ =	swait.ge [sflag:s29], $0x2800  }
0x252: {  	[sflag:s29] =	ssyncset.done $0x0  }
0x253: {  	s8 =	rddreg [dreg:$0xd];
	[sflag:s29] =	ssyncadd.s32 $0xFFFFD800  }
0x254: {  	[tilespmem:s2], [sflag:$0x3] =	stream.indirect.gather [hbm4b:s0+s31], $0x80, s8, s31, $0xb8;
	[tilespmem:$0x1D800] =	vst v63  }
0x255: {  	_ =	swait.ge [sflag:s28], $0x2800  }
0x256: {  	[sflag:s28] =	ssyncset.done $0x0  }
0x257: {  	s10 =	rddreg [dreg:$0xe];
	[sflag:s28] =	ssyncadd.s32 $0xFFFFD800  }
0x258: {  	[spmem:s3] =	stream.indirect.scatter.add.f32 [tilespmem:s26], [sflag:$0x4], $0x80, s10, s31, $0xb8;
	[tilespmem:$0x1D800] =	vst v63  }
0x259: {  	_ =	swait.ge [sflag:s29], $0x2800  }
0x25a: {  	[sflag:s29] =	ssyncset.done $0x0  }
0x25b: {  	s20 =	rddreg [dreg:$0xf];
	[sflag:s29] =	ssyncadd.s32 $0xFFFFD800  }
0x25c: {  	[tilespmem:s26], [sflag:$0x1] =	stream.indirect.gather [hbm4b:s0+s31], $0x80, s20, s31, $0xb8;
	[tilespmem:$0x1D800] =	vst v63  }
0x25d: {  	_ =	swait.ge [sflag:s5], $0x2800  }
0x25e: {  	[sflag:s5] =	ssyncset.done $0x0  }
0x25f: {  	s8 =	rddreg [dreg:$0x10];
	[sflag:s5] =	ssyncadd.s32 $0xFFFFD800  }
0x260: {  	[spmem:s3] =	stream.indirect.scatter.add.f32 [tilespmem:s1], [sflag:$0x4], $0x80, s8, s31, $0xb8;
	[tilespmem:$0x1D800] =	vst v63  }
0x261: {  	_ =	swait.ge [sflag:s29], $0x2800  }
0x262: {  	[sflag:s29] =	ssyncset.done $0x0  }
0x263: {  	s10 =	rddreg [dreg:$0x11];
	[sflag:s29] =	ssyncadd.s32 $0xFFFFD800  }
0x264: {  	[tilespmem:s1], [sflag:$0x2] =	stream.indirect.gather [hbm4b:s0+s31], $0x80, s10, s31, $0xb8;
	[tilespmem:$0x1D800] =	vst v63  }
0x265: {  	_ =	swait.ge [sflag:s7], $0x2800  }
0x266: {  	[sflag:s7] =	ssyncset.done $0x0  }
0x267: {  	s20 =	rddreg [dreg:$0x12];
	[sflag:s7] =	ssyncadd.s32 $0xFFFFD800  }
0x268: {  	[spmem:s3] =	stream.indirect.scatter.add.f32 [tilespmem:s2], [sflag:$0x4], $0x80, s20, s31, $0xb8;
	[tilespmem:$0x1D800] =	vst v63  }
0x269: {  	_ =	swait.ge [sflag:s29], $0x2800  }
0x26a: {  	[sflag:s29] =	ssyncset.done $0x0  }
0x26b: {  	s8 =	rddreg [dreg:$0x13];
	[sflag:s29] =	ssyncadd.s32 $0xFFFFD800  }
0x26c: {  	[tilespmem:s2], [sflag:$0x3] =	stream.indirect.gather [hbm4b:s0+s31], $0x80, s8, s31, $0xb8;
	[tilespmem:$0x1D800] =	vst v63  }
0x26d: {  	_ =	swait.ge [sflag:s28], $0x2800  }
0x26e: {  	[sflag:s28] =	ssyncset.done $0x0  }
0x26f: {  	s10 =	rddreg [dreg:$0x14];
	[sflag:s28] =	ssyncadd.s32 $0xFFFFD800  }
0x270: {  	[spmem:s3] =	stream.indirect.scatter.add.f32 [tilespmem:s26], [sflag:$0x4], $0x80, s10, s31, $0xb8;
	[tilespmem:$0x1D800] =	vst v63  }
0x271: {  	_ =	swait.ge [sflag:s29], $0x2800  }
0x272: {  	[sflag:s29] =	ssyncset.done $0x0  }
0x273: {  	s20 =	rddreg [dreg:$0x15];
	[sflag:s29] =	ssyncadd.s32 $0xFFFFD800  }
0x274: {  	[tilespmem:s26], [sflag:$0x1] =	stream.indirect.gather [hbm4b:s0+s31], $0x80, s20, s31, $0xb8;
	[tilespmem:$0x1D800] =	vst v63  }
0x275: {  	_ =	swait.ge [sflag:s5], $0x2800  }
0x276: {  	[sflag:s5] =	ssyncset.done $0x0  }
0x277: {  	s8 =	rddreg [dreg:$0x16];
	[sflag:s5] =	ssyncadd.s32 $0xFFFFD800  }
0x278: {  	[spmem:s3] =	stream.indirect.scatter.add.f32 [tilespmem:s1], [sflag:$0x4], $0x80, s8, s31, $0xb8;
	[tilespmem:$0x1D800] =	vst v63  }
0x279: {  	_ =	swait.ge [sflag:s29], $0x2800  }
0x27a: {  	[sflag:s29] =	ssyncset.done $0x0  }
0x27b: {  	s10 =	rddreg [dreg:$0x17];
	[sflag:s29] =	ssyncadd.s32 $0xFFFFD800  }
0x27c: {  	[tilespmem:s1], [sflag:$0x2] =	stream.indirect.gather [hbm4b:s0+s31], $0x80, s10, s31, $0xb8;
	[tilespmem:$0x1D800] =	vst v63  }
0x27d: {  	_ =	swait.ge [sflag:s7], $0x2800  }
0x27e: {  	[sflag:s7] =	ssyncset.done $0x0  }
0x27f: {  	s20 =	rddreg [dreg:$0x18];
	[sflag:s7] =	ssyncadd.s32 $0xFFFFD800  }
0x280: {  	[spmem:s3] =	stream.indirect.scatter.add.f32 [tilespmem:s2], [sflag:$0x4], $0x80, s20, s31, $0xb8;
	[tilespmem:$0x1D800] =	vst v63  }
0x281: {  	_ =	swait.ge [sflag:s29], $0x2800  }
0x282: {  	[sflag:s29] =	ssyncset.done $0x0  }
0x283: {  	s8 =	rddreg [dreg:$0x19];
	[sflag:s29] =	ssyncadd.s32 $0xFFFFD800  }
0x284: {  	[tilespmem:s2], [sflag:$0x3] =	stream.indirect.gather [hbm4b:s0+s31], $0x80, s8, s31, $0xb8;
	[tilespmem:$0x1D800] =	vst v63  }
0x285: {  	_ =	swait.ge [sflag:s28], $0x2800  }
0x286: {  	[sflag:s28] =	ssyncset.done $0x0  }
0x287: {  	s10 =	rddreg [dreg:$0x1a];
	[sflag:s28] =	ssyncadd.s32 $0xFFFFD800  }
0x288: {  	[spmem:s3] =	stream.indirect.scatter.add.f32 [tilespmem:s26], [sflag:$0x4], $0x80, s10, s31, $0xb8;
	[tilespmem:$0x1D800] =	vst v63  }
0x289: {  	_ =	swait.ge [sflag:s29], $0x2800  }
0x28a: {  	[sflag:s29] =	ssyncset.done $0x0  }
0x28b: {  	s20 =	rddreg [dreg:$0x1b];
	[sflag:s29] =	ssyncadd.s32 $0xFFFFD800  }
0x28c: {  	[tilespmem:s26], [sflag:$0x1] =	stream.indirect.gather [hbm4b:s0+s31], $0x80, s20, s31, $0xb8;
	[tilespmem:$0x1D800] =	vst v63  }
0x28d: {  	_ =	swait.ge [sflag:s5], $0x2800  }
0x28e: {  	[sflag:s5] =	ssyncset.done $0x0  }
0x28f: {  	s8 =	rddreg [dreg:$0x1c];
	[sflag:s5] =	ssyncadd.s32 $0xFFFFD800  }
0x290: {  	[spmem:s3] =	stream.indirect.scatter.add.f32 [tilespmem:s1], [sflag:$0x4], $0x80, s8, s31, $0xb8;
	[tilespmem:$0x1D800] =	vst v63  }
0x291: {  	_ =	swait.ge [sflag:s29], $0x2800  }
0x292: {  	[sflag:s29] =	ssyncset.done $0x0  }
0x293: {  	s10 =	rddreg [dreg:$0x1d];
	[sflag:s29] =	ssyncadd.s32 $0xFFFFD800  }
0x294: {  	[tilespmem:s1], [sflag:$0x2] =	stream.indirect.gather [hbm4b:s0+s31], $0x80, s10, s31, $0xb8;
	[tilespmem:$0x1D800] =	vst v63  }
0x295: {  	_ =	swait.ge [sflag:s7], $0x2800  }
0x296: {  	[sflag:s7] =	ssyncset.done $0x0  }
0x297: {  	s20 =	rddreg [dreg:$0x1e];
	[sflag:s7] =	ssyncadd.s32 $0xFFFFD800  }
0x298: {  	[spmem:s3] =	stream.indirect.scatter.add.f32 [tilespmem:s2], [sflag:$0x4], $0x80, s20, s31, $0xb8;
	[tilespmem:$0x1D800] =	vst v63  }
0x299: {  	_ =	swait.ge [sflag:s29], $0x2800  }
0x29a: {  	[sflag:s29] =	ssyncset.done $0x0  }
0x29b: {  	s8 =	rddreg [dreg:$0x1f];
	[sflag:s29] =	ssyncadd.s32 $0xFFFFD800  }
0x29c: {  	[tilespmem:s2], [sflag:$0x3] =	stream.indirect.gather [hbm4b:s0+s31], $0x80, s8, s31, $0xb8;
	[tilespmem:$0x1D800] =	vst v63  }
0x29d: {  	_ =	swait.ge [sflag:s28], $0x2800  }
0x29e: {  	s10 =	sld [smem:$0x7EA]  }
0x29f: {  	[sflag:s28] =	ssyncset.done $0x0  }
0x2a0: {  	[sflag:s28] =	ssyncadd.s32 $0xFFFFD800  }
0x2a1: {  	[spmem:s3] =	stream.indirect.scatter.add.f32 [tilespmem:s26], [sflag:$0x4], $0x80, s10, s31, $0xb8;
	[tilespmem:$0x1D800] =	vst v63  }
0x2a2: {  	_ =	swait.ge [sflag:s29], $0x2800  }
0x2a3: {  	s20 =	sld [smem:$0x7EC]  }
0x2a4: {  	[sflag:s29] =	ssyncset.done $0x0  }
0x2a5: {  	[sflag:s29] =	ssyncadd.s32 $0xFFFFD800  }
0x2a6: {  	[tilespmem:s26], [sflag:$0x1] =	stream.indirect.gather [hbm4b:s0+s31], $0x80, s20, s31, $0xb8;
	[tilespmem:$0x1D800] =	vst v63  }
0x2a7: {  	_ =	swait.ge [sflag:s5], $0x2800  }
0x2a8: {  	s8 =	sld [smem:$0x7EE]  }
0x2a9: {  	[sflag:s5] =	ssyncset.done $0x0  }
0x2aa: {  	[sflag:s5] =	ssyncadd.s32 $0xFFFFD800  }
0x2ab: {  	[spmem:s3] =	stream.indirect.scatter.add.f32 [tilespmem:s1], [sflag:$0x4], $0x80, s8, s31, $0xb8;
	[tilespmem:$0x1D800] =	vst v63  }
0x2ac: {  	_ =	swait.ge [sflag:s29], $0x2800  }
0x2ad: {  	s10 =	sld [smem:$0x7F0]  }
0x2ae: {  	[sflag:s29] =	ssyncset.done $0x0  }
0x2af: {  	[sflag:s29] =	ssyncadd.s32 $0xFFFFD800  }
0x2b0: {  	[tilespmem:s1], [sflag:$0x2] =	stream.indirect.gather [hbm4b:s0+s31], $0x80, s10, s31, $0xb8;
	[tilespmem:$0x1D800] =	vst v63  }
0x2b1: {  	_ =	swait.ge [sflag:s7], $0x2800  }
0x2b2: {  	s20 =	sld [smem:$0x7F2]  }
0x2b3: {  	[sflag:s7] =	ssyncset.done $0x0  }
0x2b4: {  	[sflag:s7] =	ssyncadd.s32 $0xFFFFD800  }
0x2b5: {  	[spmem:s3] =	stream.indirect.scatter.add.f32 [tilespmem:s2], [sflag:$0x4], $0x80, s20, s31, $0xb8;
	[tilespmem:$0x1D800] =	vst v63  }
0x2b6: {  	_ =	swait.ge [sflag:s29], $0x2800  }
0x2b7: {  	s8 =	sld [smem:$0x7F4]  }
0x2b8: {  	[sflag:s29] =	ssyncset.done $0x0  }
0x2b9: {  	[sflag:s29] =	ssyncadd.s32 $0xFFFFD800  }
0x2ba: {  	[tilespmem:s2], [sflag:$0x3] =	stream.indirect.gather [hbm4b:s0+s31], $0x80, s8, s31, $0xb8;
	[tilespmem:$0x1D800] =	vst v63  }
0x2bb: {  	_ =	swait.ge [sflag:s28], $0x2800  }
0x2bc: {  	s10 =	sld [smem:$0x7F5]  }
0x2bd: {  	[sflag:s28] =	ssyncset.done $0x0  }
0x2be: {  	[sflag:s28] =	ssyncadd.s32 $0xFFFFD800  }
0x2bf: {  	[spmem:s3] =	stream.indirect.scatter.add.f32 [tilespmem:s26], [sflag:$0x4], $0x80, s10, s31, $0xb8;
	[tilespmem:$0x1D800] =	vst v63  }
0x2c0: {  	_ =	swait.ge [sflag:s29], $0x2800  }
0x2c1: {  	s20 =	sld [smem:$0x7F6]  }
0x2c2: {  	[sflag:s29] =	ssyncset.done $0x0  }
0x2c3: {  	[sflag:s29] =	ssyncadd.s32 $0xFFFFD800  }
0x2c4: {  	[tilespmem:s26], [sflag:$0x1] =	stream.indirect.gather [hbm4b:s0+s31], $0x80, s20, s31, $0xb8;
	[tilespmem:$0x1D800] =	vst v63  }
0x2c5: {  	_ =	swait.ge [sflag:s5], $0x2800  }
0x2c6: {  	[sflag:s5] =	ssyncset.done $0x0  }
0x2c7: {  	[sflag:s5] =	ssyncadd.s32 $0xFFFFD800  }
0x2c8: {  	[spmem:s3] =	stream.indirect.scatter.add.f32 [tilespmem:s1], [sflag:$0x4], $0x80, s9, s31, $0xb8;
	[tilespmem:$0x1D800] =	vst v63  }
0x2c9: {  	_ =	swait.ge [sflag:s29], $0x2800  }
0x2ca: {  	[sflag:s29] =	ssyncset.done $0x0  }
0x2cb: {  	[sflag:s29] =	ssyncadd.s32 $0xFFFFD800  }
0x2cc: {  	[tilespmem:s1], [sflag:$0x2] =	stream.indirect.gather [hbm4b:s0+s31], $0x80, s11, s31, $0xb8;
	[tilespmem:$0x1D800] =	vst v63  }
0x2cd: {  	_ =	swait.ge [sflag:s7], $0x2800  }
0x2ce: {  	[sflag:s7] =	ssyncset.done $0x0  }
0x2cf: {  	[sflag:s7] =	ssyncadd.s32 $0xFFFFD800  }
0x2d0: {  	[spmem:s3] =	stream.indirect.scatter.add.f32 [tilespmem:s2], [sflag:$0x4], $0x80, s12, s31, $0xb8;
	[tilespmem:$0x1D800] =	vst v63  }
0x2d1: {  	_ =	swait.ge [sflag:s29], $0x2800  }
0x2d2: {  	[sflag:s29] =	ssyncset.done $0x0  }
0x2d3: {  	[sflag:s29] =	ssyncadd.s32 $0xFFFFD800  }
0x2d4: {  	[tilespmem:s2], [sflag:$0x3] =	stream.indirect.gather [hbm4b:s0+s31], $0x80, s13, s31, $0xb8;
	[tilespmem:$0x1D800] =	vst v63  }
0x2d5: {  	_ =	swait.ge [sflag:s28], $0x2800  }
0x2d6: {  	[sflag:s28] =	ssyncset.done $0x0  }
0x2d7: {  	[sflag:s28] =	ssyncadd.s32 $0xFFFFD800  }
0x2d8: {  	[spmem:s3] =	stream.indirect.scatter.add.f32 [tilespmem:s26], [sflag:$0x4], $0x80, s14, s31, $0xb8;
	[tilespmem:$0x1D800] =	vst v63  }
0x2d9: {  	_ =	swait.ge [sflag:s29], $0x2800  }
0x2da: {  	[sflag:s29] =	ssyncset.done $0x0  }
0x2db: {  	[sflag:s29] =	ssyncadd.s32 $0xFFFFD800  }
0x2dc: {  	[tilespmem:s26], [sflag:$0x1] =	stream.indirect.gather [hbm4b:s0+s31], $0x80, s15, s31, $0xb8;
	[tilespmem:$0x1D800] =	vst v63  }
0x2dd: {  	_ =	swait.ge [sflag:s5], $0x2800  }
0x2de: {  	[sflag:s5] =	ssyncset.done $0x0  }
0x2df: {  	[sflag:s5] =	ssyncadd.s32 $0xFFFFD800  }
0x2e0: {  	[spmem:s3] =	stream.indirect.scatter.add.f32 [tilespmem:s1], [sflag:$0x4], $0x80, s16, s31, $0xb8;
	[tilespmem:$0x1D800] =	vst v63  }
0x2e1: {  	_ =	swait.ge [sflag:s29], $0x2800  }
0x2e2: {  	[sflag:s29] =	ssyncset.done $0x0  }
0x2e3: {  	[sflag:s29] =	ssyncadd.s32 $0xFFFFD800  }
0x2e4: {  	[tilespmem:s1], [sflag:$0x2] =	stream.indirect.gather [hbm4b:s0+s31], $0x80, s17, s31, $0xb8;
	[tilespmem:$0x1D800] =	vst v63  }
0x2e5: {  	_ =	swait.ge [sflag:s7], $0x2800  }
0x2e6: {  	[sflag:s7] =	ssyncset.done $0x0  }
0x2e7: {  	[sflag:s7] =	ssyncadd.s32 $0xFFFFD800  }
0x2e8: {  	[spmem:s3] =	stream.indirect.scatter.add.f32 [tilespmem:s2], [sflag:$0x4], $0x80, s18, s31, $0xb8;
	[tilespmem:$0x1D800] =	vst v63  }
0x2e9: {  	_ =	swait.ge [sflag:s29], $0x2800  }
0x2ea: {  	[sflag:s29] =	ssyncset.done $0x0  }
0x2eb: {  	[sflag:s29] =	ssyncadd.s32 $0xFFFFD800  }
0x2ec: {  	[tilespmem:s2], [sflag:$0x3] =	stream.indirect.gather [hbm4b:s0+s31], $0x80, s19, s31, $0xb8;
	[tilespmem:$0x1D800] =	vst v63  }
0x2ed: {  	_ =	swait.ge [sflag:s28], $0x2800  }
0x2ee: {  	[sflag:s28] =	ssyncset.done $0x0  }
0x2ef: {  	[sflag:s28] =	ssyncadd.s32 $0xFFFFD800  }
0x2f0: {  	[spmem:s3] =	stream.indirect.scatter.add.f32 [tilespmem:s26], [sflag:$0x4], $0x80, s21, s31, $0xb8;
	[tilespmem:$0x1D800] =	vst v63  }
0x2f1: {  	_ =	swait.ge [sflag:s29], $0x2800  }
0x2f2: {  	[sflag:s29] =	ssyncset.done $0x0  }
0x2f3: {  	[sflag:s29] =	ssyncadd.s32 $0xFFFFD800  }
0x2f4: {  	[tilespmem:s26], [sflag:$0x1] =	stream.indirect.gather [hbm4b:s0+s31], $0x80, s22, s31, $0xb8;
	[tilespmem:$0x1D800] =	vst v63  }
0x2f5: {  	_ =	swait.ge [sflag:s5], $0x2800  }
0x2f6: {  	[sflag:s5] =	ssyncset.done $0x0  }
0x2f7: {  	[sflag:s5] =	ssyncadd.s32 $0xFFFFD800  }
0x2f8: {  	[spmem:s3] =	stream.indirect.scatter.add.f32 [tilespmem:s1], [sflag:$0x4], $0x80, s23, s31, $0xb8;
	[tilespmem:$0x1D800] =	vst v63  }
0x2f9: {  	_ =	swait.ge [sflag:s29], $0x2800  }
0x2fa: {  	[sflag:s29] =	ssyncset.done $0x0  }
0x2fb: {  	[sflag:s29] =	ssyncadd.s32 $0xFFFFD800  }
0x2fc: {  	_ =	swait.ge [sflag:s7], $0x2800  }
0x2fd: {  	[sflag:s7] =	ssyncset.done $0x0  }
0x2fe: {  	[sflag:s7] =	ssyncadd.s32 $0xFFFFD800  }
0x2ff: {  	[spmem:s3] =	stream.indirect.scatter.add.f32 [tilespmem:s2], [sflag:$0x4], $0x80, s24, s31, $0xb8;
	[tilespmem:$0x1D800] =	vst v63  }
0x300: {  	_ =	swait.ge [sflag:s29], $0x2800  }
0x301: {  	[sflag:s29] =	ssyncset.done $0x0  }
0x302: {  	[sflag:s29] =	ssyncadd.s32 $0xFFFFD800  }
0x303: {  	_ =	swait.ge [sflag:s28], $0x2800  }
0x304: {  	[sflag:s28] =	ssyncset.done $0x0  }
0x305: {  	[sflag:s28] =	ssyncadd.s32 $0xFFFFD800  }
0x306: {  	[spmem:s3] =	stream.indirect.scatter.add.f32 [tilespmem:s26], [sflag:$0x4], $0x80, s25, s31, $0xb8;
	[tilespmem:$0x1D800] =	vst v63  }
0x307: {  	_ =	swait.ge [sflag:s29], $0x2800  }
0x308: {  	[sflag:s29] =	ssyncset.done $0x0  }
0x309: {  	[sflag:s29] =	ssyncadd.s32 $0xFFFFD800  }
0x30a: {  	[bflag:$0x0] =	sbarrier.arrive $0xFFFF  }
0x30b: {  	s20 =	sld [smem:$0x7FC];
	_ =	sdelay $0x2  }
0x30c: {  	[tilespmem:s26], [sflag:$0x4] =	stream.linear.gather [spmem:s20], $0x2800, $0x38;
	[tilespmem:$0x1D800] =	vst v63  }
0x30d: {  	_ =	swait.ge [sflag:s29], $0x2800  }
0x30e: {  	s8 =	sld [smem:$0x7E6]  }
0x30f: {  	[sflag:s29] =	ssyncset.done $0x0  }
0x310: {  	s10 =	sld [smem:$0x7F8];
	[sflag:s29] =	ssyncadd.s32 $0xFFFFD800  }
0x311: {  	[hbm4b:s8+s4] =	stream.linear.scatter [tilespmem:s26], [sflag:$0x1], $0x2800, $0x38;
	[tilespmem:$0x1D800] =	vst v63  }
0x312: {  	_ = 	snop  }
0x313: {  	[tilespmem:s1], [sflag:$0x4] =	stream.linear.gather [spmem:s10], $0x2800, $0x38;
	[tilespmem:$0x1D800] =	vst v63  }
0x314: {  	_ =	swait.ge [sflag:s29], $0x2800  }
0x315: {  	s8 =	sld [smem:$0x7E7]  }
0x316: {  	[sflag:s29] =	ssyncset.done $0x0  }
0x317: {  	[sflag:s29] =	ssyncadd.s32 $0xFFFFD800  }
0x318: {  	[hbm4b:s8+s4] =	stream.linear.scatter [tilespmem:s1], [sflag:$0x2], $0x2800, $0x38;
	[tilespmem:$0x1D800] =	vst v63  }
0x319: {  	_ =	swait.ge [sflag:s28], $0x2800  }
0x31a: {  	s10 =	sld [smem:$0x7E3]  }
0x31b: {  	[sflag:s28] =	ssyncset.done $0x0  }
0x31c: {  	[sflag:s28] =	ssyncadd.s32 $0xFFFFD800  }
0x31d: {  	[tilespmem:s26], [sflag:$0x4] =	stream.linear.gather [spmem:s10], $0x2800, $0x38;
	[tilespmem:$0x1D800] =	vst v63  }
0x31e: {  	_ =	swait.ge [sflag:s29], $0x2800  }
0x31f: {  	s8 =	sld [smem:$0x7E8]  }
0x320: {  	[sflag:s29] =	ssyncset.done $0x0  }
0x321: {  	[sflag:s29] =	ssyncadd.s32 $0xFFFFD800  }
0x322: {  	[hbm4b:s8+s4] =	stream.linear.scatter [tilespmem:s26], [sflag:$0x1], $0x2800, $0x38;
	[tilespmem:$0x1D800] =	vst v63  }
0x323: {  	_ =	swait.ge [sflag:s5], $0x2800  }
0x324: {  	s10 =	sld [smem:$0x7F9]  }
0x325: {  	[sflag:s5] =	ssyncset.done $0x0  }
0x326: {  	[sflag:s5] =	ssyncadd.s32 $0xFFFFD800  }
0x327: {  	[tilespmem:s1], [sflag:$0x4] =	stream.linear.gather [spmem:s10], $0x2800, $0x38;
	[tilespmem:$0x1D800] =	vst v63  }
0x328: {  	_ =	swait.ge [sflag:s29], $0x2800  }
0x329: {  	s8 =	sld [smem:$0x7E9]  }
0x32a: {  	[sflag:s29] =	ssyncset.done $0x0  }
0x32b: {  	[sflag:s29] =	ssyncadd.s32 $0xFFFFD800  }
0x32c: {  	[hbm4b:s8+s4] =	stream.linear.scatter [tilespmem:s1], [sflag:$0x2], $0x2800, $0x38;
	[tilespmem:$0x1D800] =	vst v63  }
0x32d: {  	_ =	swait.ge [sflag:s28], $0x2800  }
0x32e: {  	s10 =	sld [smem:$0x7E5]  }
0x32f: {  	[sflag:s28] =	ssyncset.done $0x0  }
0x330: {  	[sflag:s28] =	ssyncadd.s32 $0xFFFFD800  }
0x331: {  	[tilespmem:s26], [sflag:$0x4] =	stream.linear.gather [spmem:s10], $0x2800, $0x38;
	[tilespmem:$0x1D800] =	vst v63  }
0x332: {  	_ =	swait.ge [sflag:s29], $0x2800  }
0x333: {  	s8 =	sld [smem:$0x7EB]  }
0x334: {  	[sflag:s29] =	ssyncset.done $0x0  }
0x335: {  	[sflag:s29] =	ssyncadd.s32 $0xFFFFD800  }
0x336: {  	[hbm4b:s8+s4] =	stream.linear.scatter [tilespmem:s26], [sflag:$0x1], $0x2800, $0x38;
	[tilespmem:$0x1D800] =	vst v63  }
0x337: {  	_ =	swait.ge [sflag:s5], $0x2800  }
0x338: {  	s10 =	sld [smem:$0x7FA]  }
0x339: {  	[sflag:s5] =	ssyncset.done $0x0  }
0x33a: {  	[sflag:s5] =	ssyncadd.s32 $0xFFFFD800  }
0x33b: {  	[tilespmem:s1], [sflag:$0x4] =	stream.linear.gather [spmem:s10], $0x2800, $0x38;
	[tilespmem:$0x1D800] =	vst v63  }
0x33c: {  	_ =	swait.ge [sflag:s29], $0x2800  }
0x33d: {  	s8 =	sld [smem:$0x7ED]  }
0x33e: {  	[sflag:s29] =	ssyncset.done $0x0  }
0x33f: {  	[sflag:s29] =	ssyncadd.s32 $0xFFFFD800  }
0x340: {  	[hbm4b:s8+s4] =	stream.linear.scatter [tilespmem:s1], [sflag:$0x2], $0x2800, $0x38;
	[tilespmem:$0x1D800] =	vst v63  }
0x341: {  	_ =	swait.ge [sflag:s28], $0x2800  }
0x342: {  	s8 =	sld [smem:$0x7FD]  }
0x343: {  	[sflag:s28] =	ssyncset.done $0x0  }
0x344: {  	[sflag:s28] =	ssyncadd.s32 $0xFFFFD800  }
0x345: {  	[tilespmem:s26], [sflag:$0x4] =	stream.linear.gather [spmem:s8], $0x2800, $0x38;
	[tilespmem:$0x1D800] =	vst v63  }
0x346: {  	_ =	swait.ge [sflag:s29], $0x2800  }
0x347: {  	s10 =	sld [smem:$0x7EF]  }
0x348: {  	[sflag:s29] =	ssyncset.done $0x0  }
0x349: {  	[sflag:s29] =	ssyncadd.s32 $0xFFFFD800  }
0x34a: {  	[hbm4b:s10+s4] =	stream.linear.scatter [tilespmem:s26], [sflag:$0x1], $0x2800, $0x38;
	[tilespmem:$0x1D800] =	vst v63  }
0x34b: {  	_ =	swait.ge [sflag:s5], $0x2800  }
0x34c: {  	s10 =	sld [smem:$0x7FB]  }
0x34d: {  	[sflag:s5] =	ssyncset.done $0x0  }
0x34e: {  	[sflag:s5] =	ssyncadd.s32 $0xFFFFD800  }
0x34f: {  	[tilespmem:s1], [sflag:$0x4] =	stream.linear.gather [spmem:s10], $0x2800, $0x38;
	[tilespmem:$0x1D800] =	vst v63  }
0x350: {  	_ =	swait.ge [sflag:s29], $0x2800  }
0x351: {  	s10 =	sld [smem:$0x7F1]  }
0x352: {  	[sflag:s29] =	ssyncset.done $0x0  }
0x353: {  	[sflag:s29] =	ssyncadd.s32 $0xFFFFD800  }
0x354: {  	[hbm4b:s10+s4] =	stream.linear.scatter [tilespmem:s1], [sflag:$0x2], $0x2800, $0x38;
	[tilespmem:$0x1D800] =	vst v63  }
0x355: {  	_ =	swait.ge [sflag:s28], $0x2800  }
0x356: {  	[sflag:s28] =	ssyncset.done $0x0  }
0x357: {  	[sflag:s28] =	ssyncadd.s32 $0xFFFFD800  }
0x358: {  	_ =	swait.ge [sflag:s5], $0x2800  }
0x359: {  	s6 =	sld [smem:$0x7E0];
	_ =	sdelay $0x2  }
0x35a: {  	s10 =	sadd.s32 $0x1, s6;
	s6 =	sld [smem:$0x7E1];
	_ =	sdelay $0x2  }
0x35b: {  	p0 =	sne.s32 s10, s6  }
.Ltmp2:
0x35c: {  	_ = 	snop;
	(pc) =	sbr.rel @p0 .LBB2_1-.Ltmp2, $3  }
0x35d: {  	_ =	sdelay $0x1  }
0x35e: {  	[sflag:s5] =	ssyncset.done $0x0  }
0x35f: {  	[sflag:s5] =	ssyncadd.s32 $0xFFFFD800  }
0x360: {  	_ =	sfence.sel $0x180000  }
0x361: {  	[bflag:$0x0] =	sbarrier.arrive $0xFFFF  }
0x362: {  	_ =	strace $0x90000047  }
0x363: {  	s0 =	stileid.u32;
	[bflag:$0x2] =	sbarrier.arrive $0xFFFF  }
0x364: {  	p0 =	sne.s32 s0, $0x0;
	s0 =	rddreg [dreg:$0x4]  }
0x365: {  	s0 =	sadd.s32 @!p0 $0x100000, s0  }
0x366: {  	[sflag:s0] =	ssyncadd.tile.s32 @!p0 $0x1;
	_ =	shalt  }
.Lfunc_end2:
_tile_overlayer_lowered:
.L_overlay_start_2:
0x367: {  	(tag) =	ssettag $0x2  }
0x368: {  	s0 =	rddreg [dreg:$0x0];
	s2 =	stileid.u32  }
0x369: {  	s1 =	rddreg [dreg:$0x1];
	p0 =	sne.s32 s2, $0x0  }
0x36a: {  	s3 =	rddreg [dreg:$0x2];
	[bflag:$0x3] =	sbarrier.arrive $0xFFFF;
	s2 =	simm.s32 @!p0 $0x1C04  }
0x36b: {  	[timem:s3], [sflag:s2] =	dma.local @!p0 [hbm:s0], s1  }
0x36c: {  	s0 =	simm.s32 @!p0 $0x4  }
0x36d: {  	_ =	swait.ge @!p0 [sflag:s0], s1  }
0x36e: {  	s1 =	ssub.s32 @!p0 $0x0, s1;
	[sflag:s0] =	ssyncset.done @!p0 $0x0  }
0x36f: {  	[sflag:s0] =	ssyncadd.s32 @!p0 s1  }
0x370: {  	[bflag:$0x3] =	sbarrier.arrive $0xFFFF  }
0x371: {  	_ =	shalt  }

</sc_bundles>
